<compile_context>
chip_gen: v7x
topology: tpu7x:2x2x1
jax: 0.10.2.dev20260603
libtpu: 0.0.44.dev20260713+nightly
codegen_flags: <defaults>
</compile_context>

<pallas_src>
import functools

import jax
import jax.numpy as jnp
from jax import lax
from jax.experimental import pallas as pl
from jax.experimental.pallas import tpu as pltpu
from jax.experimental.pallas import tpu_sc as plsc

_NC = 2
_NS = 16
_NW = _NC * _NS
_L = 16


def _make_sc_expand(S, D):
    rows = 2 * S - 1
    slices_per_w = (2 * S) // _NW
    mesh = plsc.VectorSubcoreMesh(core_axis_name="c", subcore_axis_name="s")

    @functools.partial(
        pl.kernel,
        mesh=mesh,
        out_type=jax.ShapeDtypeStruct((2 * S, S, D), jnp.float32),
        scratch_types=[
            pltpu.VMEM((2 * S, D), jnp.float32),
            pltpu.SemaphoreType.DMA,
        ],
    )
    def expand(table_hbm, out_hbm, buf, sem):
        cid = lax.axis_index("c")
        sid = lax.axis_index("s")
        wid = sid * _NC + cid

        pltpu.sync_copy(table_hbm, buf.at[pl.ds(0, rows)])

        def swap_rows(k, _):
            lo = k
            hi = (rows - 1) - k
            for q in range(D // _L):
                a = buf[lo, pl.ds(q * _L, _L)]
                b = buf[hi, pl.ds(q * _L, _L)]
                buf[lo, pl.ds(q * _L, _L)] = b
                buf[hi, pl.ds(q * _L, _L)] = a
            return 0

        lax.fori_loop(0, (rows - 1) // 2, swap_rows, 0)

        base = wid * slices_per_w
        i0 = lax.rem(base, S)
        copies = []
        for t in range(slices_per_w):
            off = (S - 1) - (i0 + t)
            copies.append(
                pltpu.async_copy(
                    buf.at[pl.ds(off, S)],
                    out_hbm.at[base + t],
                    sem,
                )
            )
        for cp in copies:
            cp.wait()

    return expand


def kernel(rel_pos_embedding, batch_size, seq_len):
    n_rows, D = rel_pos_embedding.shape
    S = (n_rows + 1) // 2
    static_batch = 2

    shift = (seq_len - S) + (batch_size - static_batch)
    r = jnp.arange(n_rows, dtype=jnp.int32)
    table_adj = rel_pos_embedding[jnp.clip(r + shift, 0, n_rows - 1)]

    out = _make_sc_expand(S, D)(table_adj)
    return out.reshape(static_batch, S, S, D)

# --- scband reference (transcript-rebuilt; emitter-appended) ---
"""Pipeline reference for scband-relative-position-embedding-12970801233997 (READ-ONLY COPY).

The authoritative reference and input builder live on the scoring server;
editing this copy changes nothing except your own understanding.
"""

import jax, jax.numpy as jnp
import numpy as np


def setup_inputs(seed: int = 0) -> dict:
    key = jax.random.key(seed)
    max_seq_len = 512
    d_model = 64
    # xavier_uniform init for the relative position embedding table
    fan_in, fan_out = 2 * max_seq_len - 1, d_model
    limit = float(np.sqrt(6.0 / (fan_in + fan_out)))
    rel_pos_embedding = jax.random.uniform(
        key, (2 * max_seq_len - 1, d_model), dtype=jnp.float32,
        minval=-limit, maxval=limit)
    return {
        "rel_pos_embedding": rel_pos_embedding,
        "batch_size": 2,
        "seq_len": 512,
    }


def reference(rel_pos_embedding, batch_size, seq_len):
    # max_seq_len recovered from table shape: table has 2*max_seq_len-1 rows
    max_seq_len = (rel_pos_embedding.shape[0] + 1) // 2
    static_seq_len = max_seq_len
    static_batch_size = 2
    row_idx = jnp.arange(static_seq_len)[:, None]
    col_idx = jnp.arange(static_seq_len)[None, :]
    relative_positions = row_idx - col_idx + max_seq_len - 1  # (S, S), in [0, 2*max_seq_len-2]
    relative_positions = relative_positions + (
        (seq_len - static_seq_len) + (batch_size - static_batch_size))
    relative_positions = jnp.broadcast_to(
        relative_positions[None, :, :],
        (static_batch_size, static_seq_len, static_seq_len))
    # gather: (B, S, S) indices into (2*max_seq_len-1, d_model) table
    return jnp.take(rel_pos_embedding, relative_positions, axis=0)

if __name__ == "__main__":
    import jax
    _d = setup_inputs()
    print(jax.jit(kernel)(*tuple(_d.values())))

</pallas_src>

<mosaic_0001>
#map = affine_map<(d0, d1) -> (0, 0)>
#map1 = affine_map<(d0, d1) -> (0, 0, 0)>
module attributes {stable_mosaic.version = 14 : i64} {
  func.func @expand(%arg0: i32, %arg1: i32, %arg2: memref<1023x64xf32, #tpu.memory_space<hbm>>, %arg3: memref<1024x512x64xf32, #tpu.memory_space<hbm>>, %arg4: memref<1024x64xf32, #tpu.memory_space<vmem>>, %arg5: memref<!tpu.dma_semaphore, #tpu.memory_space<semaphore_mem>>) attributes {dimension_semantics = [#tpu.dimension_semantics<core_parallel>, #tpu.dimension_semantics<subcore_parallel>], iteration_bounds = array<i64: 2, 16>, scalar_prefetch = 0 : i64, scratch_operands = 2 : i64, tpu.core_type = #tpu.core_type<sc_vector_subcore>, window_params = [{transform_indices = #map}, {transform_indices = #map1}]} {
    %mul3A = arith.constant 2 : i32
    %mul3A_0 = arith.muli %arg1, %mul3A : i32
    %add3A = arith.addi %mul3A_0, %arg0 : i32
    "tpu.region"() ({
      %run_scoped3A = tpu.sem_alloc : memref<!tpu.dma_semaphore, #tpu.memory_space<semaphore_mem>>
      %dma_start3A_967 = arith.constant 0 : i32
      %dma_start3A_968 = arith.constant 0 : i32
      %dma_start3A_969 = tpu.memref_slice %arg4[%dma_start3A_967, %dma_start3A_968] : memref<1024x64xf32, #tpu.memory_space<vmem>> -> memref<1023x64xf32, #tpu.memory_space<vmem>>
      %dma_start3A_970 = arith.constant 0 : i32
      %dma_start3A_971 = arith.constant 0 : i32
      %dma_start3A_972 = tpu.memref_slice %arg4[%dma_start3A_970, %dma_start3A_971] : memref<1024x64xf32, #tpu.memory_space<vmem>> -> memref<1023x64xf32, #tpu.memory_space<vmem>>
      tpu.enqueue_dma source(%arg2 : memref<1023x64xf32, #tpu.memory_space<hbm>>) target(%dma_start3A_972 : memref<1023x64xf32, #tpu.memory_space<vmem>>) target_semaphore(%run_scoped3A : memref<!tpu.dma_semaphore, #tpu.memory_space<semaphore_mem>>)
      %dma_wait3A_973 = arith.constant 0 : i32
      %dma_wait3A_974 = arith.constant 0 : i32
      %dma_wait3A_975 = tpu.memref_slice %arg4[%dma_wait3A_973, %dma_wait3A_974] : memref<1024x64xf32, #tpu.memory_space<vmem>> -> memref<1023x64xf32, #tpu.memory_space<vmem>>
      %dma_wait3A_976 = arith.constant 0 : i32
      %dma_wait3A_977 = arith.constant 0 : i32
      %dma_wait3A_978 = tpu.memref_slice %arg4[%dma_wait3A_976, %dma_wait3A_977] : memref<1024x64xf32, #tpu.memory_space<vmem>> -> memref<1023x64xf32, #tpu.memory_space<vmem>>
      tpu.wait_dma2 semaphore(%run_scoped3A : memref<!tpu.dma_semaphore, #tpu.memory_space<semaphore_mem>>) src(%arg2 : memref<1023x64xf32, #tpu.memory_space<hbm>>) dst(%dma_wait3A_978 : memref<1023x64xf32, #tpu.memory_space<vmem>>)
      tpu.yield
    }) : () -> ()
    %scan3A = arith.constant 0 : i32
    %scan3A_1 = arith.constant 0 : i32
    %scan3A_2 = arith.constant 511 : i32
    %scan3A_3 = arith.addi %scan3A_1, %scan3A_2 : i32
    %scan3A_4 = arith.constant 1 : i32
    %scan3A_5 = scf.for %scan3A_967 = %scan3A_1 to %scan3A_3 step %scan3A_4 iter_args(%scan3A_968 = %scan3A) -> (i32)  : i32 {
      %sub3A_969 = arith.constant 1022 : i32
      %sub3A_970 = arith.subi %sub3A_969, %scan3A_967 : i32
      %get3A = arith.index_cast %scan3A_967 : i32 to index
      %get3A_971 = arith.constant 0 : index
      %get3A_972 = tpu.vector_load %arg4[%get3A, %get3A_971] {strides = array<i32>} : memref<1024x64xf32, #tpu.memory_space<vmem>>, vector<1x16xf32>,
      %get3A_973 = vector.shape_cast %get3A_972 : vector<1x16xf32> to vector<16xf32>
      %get3A_974 = arith.index_cast %sub3A_970 : i32 to index
      %get3A_975 = arith.constant 0 : index
      %get3A_976 = tpu.vector_load %arg4[%get3A_974, %get3A_975] {strides = array<i32>} : memref<1024x64xf32, #tpu.memory_space<vmem>>, vector<1x16xf32>,
      %get3A_977 = vector.shape_cast %get3A_976 : vector<1x16xf32> to vector<16xf32>
      %swap3A = arith.index_cast %scan3A_967 : i32 to index
      %swap3A_978 = arith.constant 0 : index
      %swap3A_979 = tpu.vector_load %arg4[%swap3A, %swap3A_978] {strides = array<i32>} : memref<1024x64xf32, #tpu.memory_space<vmem>>, vector<1x16xf32>,
      %swap3A_980 = vector.shape_cast %swap3A_979 : vector<1x16xf32> to vector<16xf32>
      %swap3A_981 = vector.shape_cast %get3A_977 : vector<16xf32> to vector<1x16xf32>
      tpu.vector_store %arg4[%swap3A, %swap3A_978], %swap3A_981 {strides = array<i32>} : memref<1024x64xf32, #tpu.memory_space<vmem>>, vector<1x16xf32>,
      %swap3A_982 = arith.index_cast %sub3A_970 : i32 to index
      %swap3A_983 = arith.constant 0 : index
      %swap3A_984 = tpu.vector_load %arg4[%swap3A_982, %swap3A_983] {strides = array<i32>} : memref<1024x64xf32, #tpu.memory_space<vmem>>, vector<1x16xf32>,
      %swap3A_985 = vector.shape_cast %swap3A_984 : vector<1x16xf32> to vector<16xf32>
      %swap3A_986 = vector.shape_cast %get3A_973 : vector<16xf32> to vector<1x16xf32>
      tpu.vector_store %arg4[%swap3A_982, %swap3A_983], %swap3A_986 {strides = array<i32>} : memref<1024x64xf32, #tpu.memory_space<vmem>>, vector<1x16xf32>,
      %get3A_987 = arith.index_cast %scan3A_967 : i32 to index
      %get3A_988 = arith.constant 16 : index
      %get3A_989 = tpu.vector_load %arg4[%get3A_987, %get3A_988] {strides = array<i32>} : memref<1024x64xf32, #tpu.memory_space<vmem>>, vector<1x16xf32>,
      %get3A_990 = vector.shape_cast %get3A_989 : vector<1x16xf32> to vector<16xf32>
      %get3A_991 = arith.index_cast %sub3A_970 : i32 to index
      %get3A_992 = arith.constant 16 : index
      %get3A_993 = tpu.vector_load %arg4[%get3A_991, %get3A_992] {strides = array<i32>} : memref<1024x64xf32, #tpu.memory_space<vmem>>, vector<1x16xf32>,
      %get3A_994 = vector.shape_cast %get3A_993 : vector<1x16xf32> to vector<16xf32>
      %swap3A_995 = arith.index_cast %scan3A_967 : i32 to index
      %swap3A_996 = arith.constant 16 : index
      %swap3A_997 = tpu.vector_load %arg4[%swap3A_995, %swap3A_996] {strides = array<i32>} : memref<1024x64xf32, #tpu.memory_space<vmem>>, vector<1x16xf32>,
      %swap3A_998 = vector.shape_cast %swap3A_997 : vector<1x16xf32> to vector<16xf32>
      %swap3A_999 = vector.shape_cast %get3A_994 : vector<16xf32> to vector<1x16xf32>
      tpu.vector_store %arg4[%swap3A_995, %swap3A_996], %swap3A_999 {strides = array<i32>} : memref<1024x64xf32, #tpu.memory_space<vmem>>, vector<1x16xf32>,
      %swap3A_1000 = arith.index_cast %sub3A_970 : i32 to index
      %swap3A_1001 = arith.constant 16 : index
      %swap3A_1002 = tpu.vector_load %arg4[%swap3A_1000, %swap3A_1001] {strides = array<i32>} : memref<1024x64xf32, #tpu.memory_space<vmem>>, vector<1x16xf32>,
      %swap3A_1003 = vector.shape_cast %swap3A_1002 : vector<1x16xf32> to vector<16xf32>
      %swap3A_1004 = vector.shape_cast %get3A_990 : vector<16xf32> to vector<1x16xf32>
      tpu.vector_store %arg4[%swap3A_1000, %swap3A_1001], %swap3A_1004 {strides = array<i32>} : memref<1024x64xf32, #tpu.memory_space<vmem>>, vector<1x16xf32>,
      %get3A_1005 = arith.index_cast %scan3A_967 : i32 to index
      %get3A_1006 = arith.constant 32 : index
      %get3A_1007 = tpu.vector_load %arg4[%get3A_1005, %get3A_1006] {strides = array<i32>} : memref<1024x64xf32, #tpu.memory_space<vmem>>, vector<1x16xf32>,
      %get3A_1008 = vector.shape_cast %get3A_1007 : vector<1x16xf32> to vector<16xf32>
      %get3A_1009 = arith.index_cast %sub3A_970 : i32 to index
      %get3A_1010 = arith.constant 32 : index
      %get3A_1011 = tpu.vector_load %arg4[%get3A_1009, %get3A_1010] {strides = array<i32>} : memref<1024x64xf32, #tpu.memory_space<vmem>>, vector<1x16xf32>,
      %get3A_1012 = vector.shape_cast %get3A_1011 : vector<1x16xf32> to vector<16xf32>
      %swap3A_1013 = arith.index_cast %scan3A_967 : i32 to index
      %swap3A_1014 = arith.constant 32 : index
      %swap3A_1015 = tpu.vector_load %arg4[%swap3A_1013, %swap3A_1014] {strides = array<i32>} : memref<1024x64xf32, #tpu.memory_space<vmem>>, vector<1x16xf32>,
      %swap3A_1016 = vector.shape_cast %swap3A_1015 : vector<1x16xf32> to vector<16xf32>
      %swap3A_1017 = vector.shape_cast %get3A_1012 : vector<16xf32> to vector<1x16xf32>
      tpu.vector_store %arg4[%swap3A_1013, %swap3A_1014], %swap3A_1017 {strides = array<i32>} : memref<1024x64xf32, #tpu.memory_space<vmem>>, vector<1x16xf32>,
      %swap3A_1018 = arith.index_cast %sub3A_970 : i32 to index
      %swap3A_1019 = arith.constant 32 : index
      %swap3A_1020 = tpu.vector_load %arg4[%swap3A_1018, %swap3A_1019] {strides = array<i32>} : memref<1024x64xf32, #tpu.memory_space<vmem>>, vector<1x16xf32>,
      %swap3A_1021 = vector.shape_cast %swap3A_1020 : vector<1x16xf32> to vector<16xf32>
      %swap3A_1022 = vector.shape_cast %get3A_1008 : vector<16xf32> to vector<1x16xf32>
      tpu.vector_store %arg4[%swap3A_1018, %swap3A_1019], %swap3A_1022 {strides = array<i32>} : memref<1024x64xf32, #tpu.memory_space<vmem>>, vector<1x16xf32>,
      %get3A_1023 = arith.index_cast %scan3A_967 : i32 to index
      %get3A_1024 = arith.constant 48 : index
      %get3A_1025 = tpu.vector_load %arg4[%get3A_1023, %get3A_1024] {strides = array<i32>} : memref<1024x64xf32, #tpu.memory_space<vmem>>, vector<1x16xf32>,
      %get3A_1026 = vector.shape_cast %get3A_1025 : vector<1x16xf32> to vector<16xf32>
      %get3A_1027 = arith.index_cast %sub3A_970 : i32 to index
      %get3A_1028 = arith.constant 48 : index
      %get3A_1029 = tpu.vector_load %arg4[%get3A_1027, %get3A_1028] {strides = array<i32>} : memref<1024x64xf32, #tpu.memory_space<vmem>>, vector<1x16xf32>,
      %get3A_1030 = vector.shape_cast %get3A_1029 : vector<1x16xf32> to vector<16xf32>
      %swap3A_1031 = arith.index_cast %scan3A_967 : i32 to index
      %swap3A_1032 = arith.constant 48 : index
      %swap3A_1033 = tpu.vector_load %arg4[%swap3A_1031, %swap3A_1032] {strides = array<i32>} : memref<1024x64xf32, #tpu.memory_space<vmem>>, vector<1x16xf32>,
      %swap3A_1034 = vector.shape_cast %swap3A_1033 : vector<1x16xf32> to vector<16xf32>
      %swap3A_1035 = vector.shape_cast %get3A_1030 : vector<16xf32> to vector<1x16xf32>
      tpu.vector_store %arg4[%swap3A_1031, %swap3A_1032], %swap3A_1035 {strides = array<i32>} : memref<1024x64xf32, #tpu.memory_space<vmem>>, vector<1x16xf32>,
      %swap3A_1036 = arith.index_cast %sub3A_970 : i32 to index
      %swap3A_1037 = arith.constant 48 : index
      %swap3A_1038 = tpu.vector_load %arg4[%swap3A_1036, %swap3A_1037] {strides = array<i32>} : memref<1024x64xf32, #tpu.memory_space<vmem>>, vector<1x16xf32>,
      %swap3A_1039 = vector.shape_cast %swap3A_1038 : vector<1x16xf32> to vector<16xf32>
      %swap3A_1040 = vector.shape_cast %get3A_1026 : vector<16xf32> to vector<1x16xf32>
      tpu.vector_store %arg4[%swap3A_1036, %swap3A_1037], %swap3A_1040 {strides = array<i32>} : memref<1024x64xf32, #tpu.memory_space<vmem>>, vector<1x16xf32>,
      %scan3A_1041 = arith.constant 0 : i32
      scf.yield %scan3A_1041 : i32
    }
    %scan3A_6 = arith.constant 511 : i32
    %mul3A_7 = arith.constant 32 : i32
    %mul3A_8 = arith.muli %add3A, %mul3A_7 : i32
    %rem3A = arith.constant 512 : i32
    %rem3A_9 = arith.remsi %mul3A_8, %rem3A : i32
    %add3A_10 = arith.constant 0 : i32
    %add3A_11 = arith.addi %rem3A_9, %add3A_10 : i32
    %sub3A = arith.constant 511 : i32
    %sub3A_12 = arith.subi %sub3A, %add3A_11 : i32
    %add3A_13 = arith.constant 0 : i32
    %add3A_14 = arith.addi %mul3A_8, %add3A_13 : i32
    %dma_start3A = arith.constant 0 : i32
    %dma_start3A_15 = tpu.memref_slice %arg4[%sub3A_12, %dma_start3A] : memref<1024x64xf32, #tpu.memory_space<vmem>> -> memref<512x64xf32, #tpu.memory_space<vmem>>
    %dma_start3A_16 = arith.constant 0 : i32
    %dma_start3A_17 = arith.constant 0 : i32
    %dma_start3A_18 = tpu.memref_slice %arg3[%add3A_14, %dma_start3A_16, %dma_start3A_17] : memref<1024x512x64xf32, #tpu.memory_space<hbm>> -> memref<1x512x64xf32, #tpu.memory_space<hbm>>
    %dma_start3A_19 = tpu.memref_squeeze %dma_start3A_18 : memref<1x512x64xf32, #tpu.memory_space<hbm>> -> memref<512x64xf32, #tpu.memory_space<hbm>>
    %dma_start3A_20 = arith.constant 0 : i32
    %dma_start3A_21 = arith.constant 0 : i32
    %dma_start3A_22 = tpu.memref_slice %arg3[%add3A_14, %dma_start3A_20, %dma_start3A_21] : memref<1024x512x64xf32, #tpu.memory_space<hbm>> -> memref<1x512x64xf32, #tpu.memory_space<hbm>>
    %dma_start3A_23 = tpu.memref_squeeze %dma_start3A_22 : memref<1x512x64xf32, #tpu.memory_space<hbm>> -> memref<512x64xf32, #tpu.memory_space<hbm>>
    %dma_start3A_24 = arith.constant 0 : i32
    %dma_start3A_25 = tpu.memref_slice %arg4[%sub3A_12, %dma_start3A_24] : memref<1024x64xf32, #tpu.memory_space<vmem>> -> memref<512x64xf32, #tpu.memory_space<vmem>>
    tpu.enqueue_dma source(%dma_start3A_25 : memref<512x64xf32, #tpu.memory_space<vmem>>) target(%dma_start3A_23 : memref<512x64xf32, #tpu.memory_space<hbm>>) target_semaphore(%arg5 : memref<!tpu.dma_semaphore, #tpu.memory_space<semaphore_mem>>)
    %add3A_26 = arith.constant 1 : i32
    %add3A_27 = arith.addi %rem3A_9, %add3A_26 : i32
    %sub3A_28 = arith.constant 511 : i32
    %sub3A_29 = arith.subi %sub3A_28, %add3A_27 : i32
    %add3A_30 = arith.constant 1 : i32
    %add3A_31 = arith.addi %mul3A_8, %add3A_30 : i32
    %dma_start3A_32 = arith.constant 0 : i32
    %dma_start3A_33 = tpu.memref_slice %arg4[%sub3A_29, %dma_start3A_32] : memref<1024x64xf32, #tpu.memory_space<vmem>> -> memref<512x64xf32, #tpu.memory_space<vmem>>
    %dma_start3A_34 = arith.constant 0 : i32
    %dma_start3A_35 = arith.constant 0 : i32
    %dma_start3A_36 = tpu.memref_slice %arg3[%add3A_31, %dma_start3A_34, %dma_start3A_35] : memref<1024x512x64xf32, #tpu.memory_space<hbm>> -> memref<1x512x64xf32, #tpu.memory_space<hbm>>
    %dma_start3A_37 = tpu.memref_squeeze %dma_start3A_36 : memref<1x512x64xf32, #tpu.memory_space<hbm>> -> memref<512x64xf32, #tpu.memory_space<hbm>>
    %dma_start3A_38 = arith.constant 0 : i32
    %dma_start3A_39 = arith.constant 0 : i32
    %dma_start3A_40 = tpu.memref_slice %arg3[%add3A_31, %dma_start3A_38, %dma_start3A_39] : memref<1024x512x64xf32, #tpu.memory_space<hbm>> -> memref<1x512x64xf32, #tpu.memory_space<hbm>>
    %dma_start3A_41 = tpu.memref_squeeze %dma_start3A_40 : memref<1x512x64xf32, #tpu.memory_space<hbm>> -> memref<512x64xf32, #tpu.memory_space<hbm>>
    %dma_start3A_42 = arith.constant 0 : i32
    %dma_start3A_43 = tpu.memref_slice %arg4[%sub3A_29, %dma_start3A_42] : memref<1024x64xf32, #tpu.memory_space<vmem>> -> memref<512x64xf32, #tpu.memory_space<vmem>>
    tpu.enqueue_dma source(%dma_start3A_43 : memref<512x64xf32, #tpu.memory_space<vmem>>) target(%dma_start3A_41 : memref<512x64xf32, #tpu.memory_space<hbm>>) target_semaphore(%arg5 : memref<!tpu.dma_semaphore, #tpu.memory_space<semaphore_mem>>)
    %add3A_44 = arith.constant 2 : i32
    %add3A_45 = arith.addi %rem3A_9, %add3A_44 : i32
    %sub3A_46 = arith.constant 511 : i32
    %sub3A_47 = arith.subi %sub3A_46, %add3A_45 : i32
    %add3A_48 = arith.constant 2 : i32
    %add3A_49 = arith.addi %mul3A_8, %add3A_48 : i32
    %dma_start3A_50 = arith.constant 0 : i32
    %dma_start3A_51 = tpu.memref_slice %arg4[%sub3A_47, %dma_start3A_50] : memref<1024x64xf32, #tpu.memory_space<vmem>> -> memref<512x64xf32, #tpu.memory_space<vmem>>
    %dma_start3A_52 = arith.constant 0 : i32
    %dma_start3A_53 = arith.constant 0 : i32
    %dma_start3A_54 = tpu.memref_slice %arg3[%add3A_49, %dma_start3A_52, %dma_start3A_53] : memref<1024x512x64xf32, #tpu.memory_space<hbm>> -> memref<1x512x64xf32, #tpu.memory_space<hbm>>
    %dma_start3A_55 = tpu.memref_squeeze %dma_start3A_54 : memref<1x512x64xf32, #tpu.memory_space<hbm>> -> memref<512x64xf32, #tpu.memory_space<hbm>>
    %dma_start3A_56 = arith.constant 0 : i32
    %dma_start3A_57 = arith.constant 0 : i32
    %dma_start3A_58 = tpu.memref_slice %arg3[%add3A_49, %dma_start3A_56, %dma_start3A_57] : memref<1024x512x64xf32, #tpu.memory_space<hbm>> -> memref<1x512x64xf32, #tpu.memory_space<hbm>>
    %dma_start3A_59 = tpu.memref_squeeze %dma_start3A_58 : memref<1x512x64xf32, #tpu.memory_space<hbm>> -> memref<512x64xf32, #tpu.memory_space<hbm>>
    %dma_start3A_60 = arith.constant 0 : i32
    %dma_start3A_61 = tpu.memref_slice %arg4[%sub3A_47, %dma_start3A_60] : memref<1024x64xf32, #tpu.memory_space<vmem>> -> memref<512x64xf32, #tpu.memory_space<vmem>>
    tpu.enqueue_dma source(%dma_start3A_61 : memref<512x64xf32, #tpu.memory_space<vmem>>) target(%dma_start3A_59 : memref<512x64xf32, #tpu.memory_space<hbm>>) target_semaphore(%arg5 : memref<!tpu.dma_semaphore, #tpu.memory_space<semaphore_mem>>)
    %add3A_62 = arith.constant 3 : i32
    %add3A_63 = arith.addi %rem3A_9, %add3A_62 : i32
    %sub3A_64 = arith.constant 511 : i32
    %sub3A_65 = arith.subi %sub3A_64, %add3A_63 : i32
    %add3A_66 = arith.constant 3 : i32
    %add3A_67 = arith.addi %mul3A_8, %add3A_66 : i32
    %dma_start3A_68 = arith.constant 0 : i32
    %dma_start3A_69 = tpu.memref_slice %arg4[%sub3A_65, %dma_start3A_68] : memref<1024x64xf32, #tpu.memory_space<vmem>> -> memref<512x64xf32, #tpu.memory_space<vmem>>
    %dma_start3A_70 = arith.constant 0 : i32
    %dma_start3A_71 = arith.constant 0 : i32
    %dma_start3A_72 = tpu.memref_slice %arg3[%add3A_67, %dma_start3A_70, %dma_start3A_71] : memref<1024x512x64xf32, #tpu.memory_space<hbm>> -> memref<1x512x64xf32, #tpu.memory_space<hbm>>
    %dma_start3A_73 = tpu.memref_squeeze %dma_start3A_72 : memref<1x512x64xf32, #tpu.memory_space<hbm>> -> memref<512x64xf32, #tpu.memory_space<hbm>>
    %dma_start3A_74 = arith.constant 0 : i32
    %dma_start3A_75 = arith.constant 0 : i32
    %dma_start3A_76 = tpu.memref_slice %arg3[%add3A_67, %dma_start3A_74, %dma_start3A_75] : memref<1024x512x64xf32, #tpu.memory_space<hbm>> -> memref<1x512x64xf32, #tpu.memory_space<hbm>>
    %dma_start3A_77 = tpu.memref_squeeze %dma_start3A_76 : memref<1x512x64xf32, #tpu.memory_space<hbm>> -> memref<512x64xf32, #tpu.memory_space<hbm>>
    %dma_start3A_78 = arith.constant 0 : i32
    %dma_start3A_79 = tpu.memref_slice %arg4[%sub3A_65, %dma_start3A_78] : memref<1024x64xf32, #tpu.memory_space<vmem>> -> memref<512x64xf32, #tpu.memory_space<vmem>>
    tpu.enqueue_dma source(%dma_start3A_79 : memref<512x64xf32, #tpu.memory_space<vmem>>) target(%dma_start3A_77 : memref<512x64xf32, #tpu.memory_space<hbm>>) target_semaphore(%arg5 : memref<!tpu.dma_semaphore, #tpu.memory_space<semaphore_mem>>)
    %add3A_80 = arith.constant 4 : i32
    %add3A_81 = arith.addi %rem3A_9, %add3A_80 : i32
    %sub3A_82 = arith.constant 511 : i32
    %sub3A_83 = arith.subi %sub3A_82, %add3A_81 : i32
    %add3A_84 = arith.constant 4 : i32
    %add3A_85 = arith.addi %mul3A_8, %add3A_84 : i32
    %dma_start3A_86 = arith.constant 0 : i32
    %dma_start3A_87 = tpu.memref_slice %arg4[%sub3A_83, %dma_start3A_86] : memref<1024x64xf32, #tpu.memory_space<vmem>> -> memref<512x64xf32, #tpu.memory_space<vmem>>
    %dma_start3A_88 = arith.constant 0 : i32
    %dma_start3A_89 = arith.constant 0 : i32
    %dma_start3A_90 = tpu.memref_slice %arg3[%add3A_85, %dma_start3A_88, %dma_start3A_89] : memref<1024x512x64xf32, #tpu.memory_space<hbm>> -> memref<1x512x64xf32, #tpu.memory_space<hbm>>
    %dma_start3A_91 = tpu.memref_squeeze %dma_start3A_90 : memref<1x512x64xf32, #tpu.memory_space<hbm>> -> memref<512x64xf32, #tpu.memory_space<hbm>>
    %dma_start3A_92 = arith.constant 0 : i32
    %dma_start3A_93 = arith.constant 0 : i32
    %dma_start3A_94 = tpu.memref_slice %arg3[%add3A_85, %dma_start3A_92, %dma_start3A_93] : memref<1024x512x64xf32, #tpu.memory_space<hbm>> -> memref<1x512x64xf32, #tpu.memory_space<hbm>>
    %dma_start3A_95 = tpu.memref_squeeze %dma_start3A_94 : memref<1x512x64xf32, #tpu.memory_space<hbm>> -> memref<512x64xf32, #tpu.memory_space<hbm>>
    %dma_start3A_96 = arith.constant 0 : i32
    %dma_start3A_97 = tpu.memref_slice %arg4[%sub3A_83, %dma_start3A_96] : memref<1024x64xf32, #tpu.memory_space<vmem>> -> memref<512x64xf32, #tpu.memory_space<vmem>>
    tpu.enqueue_dma source(%dma_start3A_97 : memref<512x64xf32, #tpu.memory_space<vmem>>) target(%dma_start3A_95 : memref<512x64xf32, #tpu.memory_space<hbm>>) target_semaphore(%arg5 : memref<!tpu.dma_semaphore, #tpu.memory_space<semaphore_mem>>)
    %add3A_98 = arith.constant 5 : i32
    %add3A_99 = arith.addi %rem3A_9, %add3A_98 : i32
    %sub3A_100 = arith.constant 511 : i32
    %sub3A_101 = arith.subi %sub3A_100, %add3A_99 : i32
    %add3A_102 = arith.constant 5 : i32
    %add3A_103 = arith.addi %mul3A_8, %add3A_102 : i32
    %dma_start3A_104 = arith.constant 0 : i32
    %dma_start3A_105 = tpu.memref_slice %arg4[%sub3A_101, %dma_start3A_104] : memref<1024x64xf32, #tpu.memory_space<vmem>> -> memref<512x64xf32, #tpu.memory_space<vmem>>
    %dma_start3A_106 = arith.constant 0 : i32
    %dma_start3A_107 = arith.constant 0 : i32
    %dma_start3A_108 = tpu.memref_slice %arg3[%add3A_103, %dma_start3A_106, %dma_start3A_107] : memref<1024x512x64xf32, #tpu.memory_space<hbm>> -> memref<1x512x64xf32, #tpu.memory_space<hbm>>
    %dma_start3A_109 = tpu.memref_squeeze %dma_start3A_108 : memref<1x512x64xf32, #tpu.memory_space<hbm>> -> memref<512x64xf32, #tpu.memory_space<hbm>>
    %dma_start3A_110 = arith.constant 0 : i32
    %dma_start3A_111 = arith.constant 0 : i32
    %dma_start3A_112 = tpu.memref_slice %arg3[%add3A_103, %dma_start3A_110, %dma_start3A_111] : memref<1024x512x64xf32, #tpu.memory_space<hbm>> -> memref<1x512x64xf32, #tpu.memory_space<hbm>>
    %dma_start3A_113 = tpu.memref_squeeze %dma_start3A_112 : memref<1x512x64xf32, #tpu.memory_space<hbm>> -> memref<512x64xf32, #tpu.memory_space<hbm>>
    %dma_start3A_114 = arith.constant 0 : i32
    %dma_start3A_115 = tpu.memref_slice %arg4[%sub3A_101, %dma_start3A_114] : memref<1024x64xf32, #tpu.memory_space<vmem>> -> memref<512x64xf32, #tpu.memory_space<vmem>>
    tpu.enqueue_dma source(%dma_start3A_115 : memref<512x64xf32, #tpu.memory_space<vmem>>) target(%dma_start3A_113 : memref<512x64xf32, #tpu.memory_space<hbm>>) target_semaphore(%arg5 : memref<!tpu.dma_semaphore, #tpu.memory_space<semaphore_mem>>)
    %add3A_116 = arith.constant 6 : i32
    %add3A_117 = arith.addi %rem3A_9, %add3A_116 : i32
    %sub3A_118 = arith.constant 511 : i32
    %sub3A_119 = arith.subi %sub3A_118, %add3A_117 : i32
    %add3A_120 = arith.constant 6 : i32
    %add3A_121 = arith.addi %mul3A_8, %add3A_120 : i32
    %dma_start3A_122 = arith.constant 0 : i32
    %dma_start3A_123 = tpu.memref_slice %arg4[%sub3A_119, %dma_start3A_122] : memref<1024x64xf32, #tpu.memory_space<vmem>> -> memref<512x64xf32, #tpu.memory_space<vmem>>
    %dma_start3A_124 = arith.constant 0 : i32
    %dma_start3A_125 = arith.constant 0 : i32
    %dma_start3A_126 = tpu.memref_slice %arg3[%add3A_121, %dma_start3A_124, %dma_start3A_125] : memref<1024x512x64xf32, #tpu.memory_space<hbm>> -> memref<1x512x64xf32, #tpu.memory_space<hbm>>
    %dma_start3A_127 = tpu.memref_squeeze %dma_start3A_126 : memref<1x512x64xf32, #tpu.memory_space<hbm>> -> memref<512x64xf32, #tpu.memory_space<hbm>>
    %dma_start3A_128 = arith.constant 0 : i32
    %dma_start3A_129 = arith.constant 0 : i32
    %dma_start3A_130 = tpu.memref_slice %arg3[%add3A_121, %dma_start3A_128, %dma_start3A_129] : memref<1024x512x64xf32, #tpu.memory_space<hbm>> -> memref<1x512x64xf32, #tpu.memory_space<hbm>>
    %dma_start3A_131 = tpu.memref_squeeze %dma_start3A_130 : memref<1x512x64xf32, #tpu.memory_space<hbm>> -> memref<512x64xf32, #tpu.memory_space<hbm>>
    %dma_start3A_132 = arith.constant 0 : i32
    %dma_start3A_133 = tpu.memref_slice %arg4[%sub3A_119, %dma_start3A_132] : memref<1024x64xf32, #tpu.memory_space<vmem>> -> memref<512x64xf32, #tpu.memory_space<vmem>>
    tpu.enqueue_dma source(%dma_start3A_133 : memref<512x64xf32, #tpu.memory_space<vmem>>) target(%dma_start3A_131 : memref<512x64xf32, #tpu.memory_space<hbm>>) target_semaphore(%arg5 : memref<!tpu.dma_semaphore, #tpu.memory_space<semaphore_mem>>)
    %add3A_134 = arith.constant 7 : i32
    %add3A_135 = arith.addi %rem3A_9, %add3A_134 : i32
    %sub3A_136 = arith.constant 511 : i32
    %sub3A_137 = arith.subi %sub3A_136, %add3A_135 : i32
    %add3A_138 = arith.constant 7 : i32
    %add3A_139 = arith.addi %mul3A_8, %add3A_138 : i32
    %dma_start3A_140 = arith.constant 0 : i32
    %dma_start3A_141 = tpu.memref_slice %arg4[%sub3A_137, %dma_start3A_140] : memref<1024x64xf32, #tpu.memory_space<vmem>> -> memref<512x64xf32, #tpu.memory_space<vmem>>
    %dma_start3A_142 = arith.constant 0 : i32
    %dma_start3A_143 = arith.constant 0 : i32
    %dma_start3A_144 = tpu.memref_slice %arg3[%add3A_139, %dma_start3A_142, %dma_start3A_143] : memref<1024x512x64xf32, #tpu.memory_space<hbm>> -> memref<1x512x64xf32, #tpu.memory_space<hbm>>
    %dma_start3A_145 = tpu.memref_squeeze %dma_start3A_144 : memref<1x512x64xf32, #tpu.memory_space<hbm>> -> memref<512x64xf32, #tpu.memory_space<hbm>>
    %dma_start3A_146 = arith.constant 0 : i32
    %dma_start3A_147 = arith.constant 0 : i32
    %dma_start3A_148 = tpu.memref_slice %arg3[%add3A_139, %dma_start3A_146, %dma_start3A_147] : memref<1024x512x64xf32, #tpu.memory_space<hbm>> -> memref<1x512x64xf32, #tpu.memory_space<hbm>>
    %dma_start3A_149 = tpu.memref_squeeze %dma_start3A_148 : memref<1x512x64xf32, #tpu.memory_space<hbm>> -> memref<512x64xf32, #tpu.memory_space<hbm>>
    %dma_start3A_150 = arith.constant 0 : i32
    %dma_start3A_151 = tpu.memref_slice %arg4[%sub3A_137, %dma_start3A_150] : memref<1024x64xf32, #tpu.memory_space<vmem>> -> memref<512x64xf32, #tpu.memory_space<vmem>>
    tpu.enqueue_dma source(%dma_start3A_151 : memref<512x64xf32, #tpu.memory_space<vmem>>) target(%dma_start3A_149 : memref<512x64xf32, #tpu.memory_space<hbm>>) target_semaphore(%arg5 : memref<!tpu.dma_semaphore, #tpu.memory_space<semaphore_mem>>)
    %add3A_152 = arith.constant 8 : i32
    %add3A_153 = arith.addi %rem3A_9, %add3A_152 : i32
    %sub3A_154 = arith.constant 511 : i32
    %sub3A_155 = arith.subi %sub3A_154, %add3A_153 : i32
    %add3A_156 = arith.constant 8 : i32
    %add3A_157 = arith.addi %mul3A_8, %add3A_156 : i32
    %dma_start3A_158 = arith.constant 0 : i32
    %dma_start3A_159 = tpu.memref_slice %arg4[%sub3A_155, %dma_start3A_158] : memref<1024x64xf32, #tpu.memory_space<vmem>> -> memref<512x64xf32, #tpu.memory_space<vmem>>
    %dma_start3A_160 = arith.constant 0 : i32
    %dma_start3A_161 = arith.constant 0 : i32
    %dma_start3A_162 = tpu.memref_slice %arg3[%add3A_157, %dma_start3A_160, %dma_start3A_161] : memref<1024x512x64xf32, #tpu.memory_space<hbm>> -> memref<1x512x64xf32, #tpu.memory_space<hbm>>
    %dma_start3A_163 = tpu.memref_squeeze %dma_start3A_162 : memref<1x512x64xf32, #tpu.memory_space<hbm>> -> memref<512x64xf32, #tpu.memory_space<hbm>>
    %dma_start3A_164 = arith.constant 0 : i32
    %dma_start3A_165 = arith.constant 0 : i32
    %dma_start3A_166 = tpu.memref_slice %arg3[%add3A_157, %dma_start3A_164, %dma_start3A_165] : memref<1024x512x64xf32, #tpu.memory_space<hbm>> -> memref<1x512x64xf32, #tpu.memory_space<hbm>>
    %dma_start3A_167 = tpu.memref_squeeze %dma_start3A_166 : memref<1x512x64xf32, #tpu.memory_space<hbm>> -> memref<512x64xf32, #tpu.memory_space<hbm>>
    %dma_start3A_168 = arith.constant 0 : i32
    %dma_start3A_169 = tpu.memref_slice %arg4[%sub3A_155, %dma_start3A_168] : memref<1024x64xf32, #tpu.memory_space<vmem>> -> memref<512x64xf32, #tpu.memory_space<vmem>>
    tpu.enqueue_dma source(%dma_start3A_169 : memref<512x64xf32, #tpu.memory_space<vmem>>) target(%dma_start3A_167 : memref<512x64xf32, #tpu.memory_space<hbm>>) target_semaphore(%arg5 : memref<!tpu.dma_semaphore, #tpu.memory_space<semaphore_mem>>)
    %add3A_170 = arith.constant 9 : i32
    %add3A_171 = arith.addi %rem3A_9, %add3A_170 : i32
    %sub3A_172 = arith.constant 511 : i32
    %sub3A_173 = arith.subi %sub3A_172, %add3A_171 : i32
    %add3A_174 = arith.constant 9 : i32
    %add3A_175 = arith.addi %mul3A_8, %add3A_174 : i32
    %dma_start3A_176 = arith.constant 0 : i32
    %dma_start3A_177 = tpu.memref_slice %arg4[%sub3A_173, %dma_start3A_176] : memref<1024x64xf32, #tpu.memory_space<vmem>> -> memref<512x64xf32, #tpu.memory_space<vmem>>
    %dma_start3A_178 = arith.constant 0 : i32
    %dma_start3A_179 = arith.constant 0 : i32
    %dma_start3A_180 = tpu.memref_slice %arg3[%add3A_175, %dma_start3A_178, %dma_start3A_179] : memref<1024x512x64xf32, #tpu.memory_space<hbm>> -> memref<1x512x64xf32, #tpu.memory_space<hbm>>
    %dma_start3A_181 = tpu.memref_squeeze %dma_start3A_180 : memref<1x512x64xf32, #tpu.memory_space<hbm>> -> memref<512x64xf32, #tpu.memory_space<hbm>>
    %dma_start3A_182 = arith.constant 0 : i32
    %dma_start3A_183 = arith.constant 0 : i32
    %dma_start3A_184 = tpu.memref_slice %arg3[%add3A_175, %dma_start3A_182, %dma_start3A_183] : memref<1024x512x64xf32, #tpu.memory_space<hbm>> -> memref<1x512x64xf32, #tpu.memory_space<hbm>>
    %dma_start3A_185 = tpu.memref_squeeze %dma_start3A_184 : memref<1x512x64xf32, #tpu.memory_space<hbm>> -> memref<512x64xf32, #tpu.memory_space<hbm>>
    %dma_start3A_186 = arith.constant 0 : i32
    %dma_start3A_187 = tpu.memref_slice %arg4[%sub3A_173, %dma_start3A_186] : memref<1024x64xf32, #tpu.memory_space<vmem>> -> memref<512x64xf32, #tpu.memory_space<vmem>>
    tpu.enqueue_dma source(%dma_start3A_187 : memref<512x64xf32, #tpu.memory_space<vmem>>) target(%dma_start3A_185 : memref<512x64xf32, #tpu.memory_space<hbm>>) target_semaphore(%arg5 : memref<!tpu.dma_semaphore, #tpu.memory_space<semaphore_mem>>)
    %add3A_188 = arith.constant 10 : i32
    %add3A_189 = arith.addi %rem3A_9, %add3A_188 : i32
    %sub3A_190 = arith.constant 511 : i32
    %sub3A_191 = arith.subi %sub3A_190, %add3A_189 : i32
    %add3A_192 = arith.constant 10 : i32
    %add3A_193 = arith.addi %mul3A_8, %add3A_192 : i32
    %dma_start3A_194 = arith.constant 0 : i32
    %dma_start3A_195 = tpu.memref_slice %arg4[%sub3A_191, %dma_start3A_194] : memref<1024x64xf32, #tpu.memory_space<vmem>> -> memref<512x64xf32, #tpu.memory_space<vmem>>
    %dma_start3A_196 = arith.constant 0 : i32
    %dma_start3A_197 = arith.constant 0 : i32
    %dma_start3A_198 = tpu.memref_slice %arg3[%add3A_193, %dma_start3A_196, %dma_start3A_197] : memref<1024x512x64xf32, #tpu.memory_space<hbm>> -> memref<1x512x64xf32, #tpu.memory_space<hbm>>
    %dma_start3A_199 = tpu.memref_squeeze %dma_start3A_198 : memref<1x512x64xf32, #tpu.memory_space<hbm>> -> memref<512x64xf32, #tpu.memory_space<hbm>>
    %dma_start3A_200 = arith.constant 0 : i32
    %dma_start3A_201 = arith.constant 0 : i32
    %dma_start3A_202 = tpu.memref_slice %arg3[%add3A_193, %dma_start3A_200, %dma_start3A_201] : memref<1024x512x64xf32, #tpu.memory_space<hbm>> -> memref<1x512x64xf32, #tpu.memory_space<hbm>>
    %dma_start3A_203 = tpu.memref_squeeze %dma_start3A_202 : memref<1x512x64xf32, #tpu.memory_space<hbm>> -> memref<512x64xf32, #tpu.memory_space<hbm>>
    %dma_start3A_204 = arith.constant 0 : i32
    %dma_start3A_205 = tpu.memref_slice %arg4[%sub3A_191, %dma_start3A_204] : memref<1024x64xf32, #tpu.memory_space<vmem>> -> memref<512x64xf32, #tpu.memory_space<vmem>>
    tpu.enqueue_dma source(%dma_start3A_205 : memref<512x64xf32, #tpu.memory_space<vmem>>) target(%dma_start3A_203 : memref<512x64xf32, #tpu.memory_space<hbm>>) target_semaphore(%arg5 : memref<!tpu.dma_semaphore, #tpu.memory_space<semaphore_mem>>)
    %add3A_206 = arith.constant 11 : i32
    %add3A_207 = arith.addi %rem3A_9, %add3A_206 : i32
    %sub3A_208 = arith.constant 511 : i32
    %sub3A_209 = arith.subi %sub3A_208, %add3A_207 : i32
    %add3A_210 = arith.constant 11 : i32
    %add3A_211 = arith.addi %mul3A_8, %add3A_210 : i32
    %dma_start3A_212 = arith.constant 0 : i32
    %dma_start3A_213 = tpu.memref_slice %arg4[%sub3A_209, %dma_start3A_212] : memref<1024x64xf32, #tpu.memory_space<vmem>> -> memref<512x64xf32, #tpu.memory_space<vmem>>
    %dma_start3A_214 = arith.constant 0 : i32
    %dma_start3A_215 = arith.constant 0 : i32
    %dma_start3A_216 = tpu.memref_slice %arg3[%add3A_211, %dma_start3A_214, %dma_start3A_215] : memref<1024x512x64xf32, #tpu.memory_space<hbm>> -> memref<1x512x64xf32, #tpu.memory_space<hbm>>
    %dma_start3A_217 = tpu.memref_squeeze %dma_start3A_216 : memref<1x512x64xf32, #tpu.memory_space<hbm>> -> memref<512x64xf32, #tpu.memory_space<hbm>>
    %dma_start3A_218 = arith.constant 0 : i32
    %dma_start3A_219 = arith.constant 0 : i32
    %dma_start3A_220 = tpu.memref_slice %arg3[%add3A_211, %dma_start3A_218, %dma_start3A_219] : memref<1024x512x64xf32, #tpu.memory_space<hbm>> -> memref<1x512x64xf32, #tpu.memory_space<hbm>>
    %dma_start3A_221 = tpu.memref_squeeze %dma_start3A_220 : memref<1x512x64xf32, #tpu.memory_space<hbm>> -> memref<512x64xf32, #tpu.memory_space<hbm>>
    %dma_start3A_222 = arith.constant 0 : i32
    %dma_start3A_223 = tpu.memref_slice %arg4[%sub3A_209, %dma_start3A_222] : memref<1024x64xf32, #tpu.memory_space<vmem>> -> memref<512x64xf32, #tpu.memory_space<vmem>>
    tpu.enqueue_dma source(%dma_start3A_223 : memref<512x64xf32, #tpu.memory_space<vmem>>) target(%dma_start3A_221 : memref<512x64xf32, #tpu.memory_space<hbm>>) target_semaphore(%arg5 : memref<!tpu.dma_semaphore, #tpu.memory_space<semaphore_mem>>)
    %add3A_224 = arith.constant 12 : i32
    %add3A_225 = arith.addi %rem3A_9, %add3A_224 : i32
    %sub3A_226 = arith.constant 511 : i32
    %sub3A_227 = arith.subi %sub3A_226, %add3A_225 : i32
    %add3A_228 = arith.constant 12 : i32
    %add3A_229 = arith.addi %mul3A_8, %add3A_228 : i32
    %dma_start3A_230 = arith.constant 0 : i32
    %dma_start3A_231 = tpu.memref_slice %arg4[%sub3A_227, %dma_start3A_230] : memref<1024x64xf32, #tpu.memory_space<vmem>> -> memref<512x64xf32, #tpu.memory_space<vmem>>
    %dma_start3A_232 = arith.constant 0 : i32
    %dma_start3A_233 = arith.constant 0 : i32
    %dma_start3A_234 = tpu.memref_slice %arg3[%add3A_229, %dma_start3A_232, %dma_start3A_233] : memref<1024x512x64xf32, #tpu.memory_space<hbm>> -> memref<1x512x64xf32, #tpu.memory_space<hbm>>
    %dma_start3A_235 = tpu.memref_squeeze %dma_start3A_234 : memref<1x512x64xf32, #tpu.memory_space<hbm>> -> memref<512x64xf32, #tpu.memory_space<hbm>>
    %dma_start3A_236 = arith.constant 0 : i32
    %dma_start3A_237 = arith.constant 0 : i32
    %dma_start3A_238 = tpu.memref_slice %arg3[%add3A_229, %dma_start3A_236, %dma_start3A_237] : memref<1024x512x64xf32, #tpu.memory_space<hbm>> -> memref<1x512x64xf32, #tpu.memory_space<hbm>>
    %dma_start3A_239 = tpu.memref_squeeze %dma_start3A_238 : memref<1x512x64xf32, #tpu.memory_space<hbm>> -> memref<512x64xf32, #tpu.memory_space<hbm>>
    %dma_start3A_240 = arith.constant 0 : i32
    %dma_start3A_241 = tpu.memref_slice %arg4[%sub3A_227, %dma_start3A_240] : memref<1024x64xf32, #tpu.memory_space<vmem>> -> memref<512x64xf32, #tpu.memory_space<vmem>>
    tpu.enqueue_dma source(%dma_start3A_241 : memref<512x64xf32, #tpu.memory_space<vmem>>) target(%dma_start3A_239 : memref<512x64xf32, #tpu.memory_space<hbm>>) target_semaphore(%arg5 : memref<!tpu.dma_semaphore, #tpu.memory_space<semaphore_mem>>)
    %add3A_242 = arith.constant 13 : i32
    %add3A_243 = arith.addi %rem3A_9, %add3A_242 : i32
    %sub3A_244 = arith.constant 511 : i32
    %sub3A_245 = arith.subi %sub3A_244, %add3A_243 : i32
    %add3A_246 = arith.constant 13 : i32
    %add3A_247 = arith.addi %mul3A_8, %add3A_246 : i32
    %dma_start3A_248 = arith.constant 0 : i32
    %dma_start3A_249 = tpu.memref_slice %arg4[%sub3A_245, %dma_start3A_248] : memref<1024x64xf32, #tpu.memory_space<vmem>> -> memref<512x64xf32, #tpu.memory_space<vmem>>
    %dma_start3A_250 = arith.constant 0 : i32
    %dma_start3A_251 = arith.constant 0 : i32
    %dma_start3A_252 = tpu.memref_slice %arg3[%add3A_247, %dma_start3A_250, %dma_start3A_251] : memref<1024x512x64xf32, #tpu.memory_space<hbm>> -> memref<1x512x64xf32, #tpu.memory_space<hbm>>
    %dma_start3A_253 = tpu.memref_squeeze %dma_start3A_252 : memref<1x512x64xf32, #tpu.memory_space<hbm>> -> memref<512x64xf32, #tpu.memory_space<hbm>>
    %dma_start3A_254 = arith.constant 0 : i32
    %dma_start3A_255 = arith.constant 0 : i32
    %dma_start3A_256 = tpu.memref_slice %arg3[%add3A_247, %dma_start3A_254, %dma_start3A_255] : memref<1024x512x64xf32, #tpu.memory_space<hbm>> -> memref<1x512x64xf32, #tpu.memory_space<hbm>>
    %dma_start3A_257 = tpu.memref_squeeze %dma_start3A_256 : memref<1x512x64xf32, #tpu.memory_space<hbm>> -> memref<512x64xf32, #tpu.memory_space<hbm>>
    %dma_start3A_258 = arith.constant 0 : i32
    %dma_start3A_259 = tpu.memref_slice %arg4[%sub3A_245, %dma_start3A_258] : memref<1024x64xf32, #tpu.memory_space<vmem>> -> memref<512x64xf32, #tpu.memory_space<vmem>>
    tpu.enqueue_dma source(%dma_start3A_259 : memref<512x64xf32, #tpu.memory_space<vmem>>) target(%dma_start3A_257 : memref<512x64xf32, #tpu.memory_space<hbm>>) target_semaphore(%arg5 : memref<!tpu.dma_semaphore, #tpu.memory_space<semaphore_mem>>)
    %add3A_260 = arith.constant 14 : i32
    %add3A_261 = arith.addi %rem3A_9, %add3A_260 : i32
    %sub3A_262 = arith.constant 511 : i32
    %sub3A_263 = arith.subi %sub3A_262, %add3A_261 : i32
    %add3A_264 = arith.constant 14 : i32
    %add3A_265 = arith.addi %mul3A_8, %add3A_264 : i32
    %dma_start3A_266 = arith.constant 0 : i32
    %dma_start3A_267 = tpu.memref_slice %arg4[%sub3A_263, %dma_start3A_266] : memref<1024x64xf32, #tpu.memory_space<vmem>> -> memref<512x64xf32, #tpu.memory_space<vmem>>
    %dma_start3A_268 = arith.constant 0 : i32
    %dma_start3A_269 = arith.constant 0 : i32
    %dma_start3A_270 = tpu.memref_slice %arg3[%add3A_265, %dma_start3A_268, %dma_start3A_269] : memref<1024x512x64xf32, #tpu.memory_space<hbm>> -> memref<1x512x64xf32, #tpu.memory_space<hbm>>
    %dma_start3A_271 = tpu.memref_squeeze %dma_start3A_270 : memref<1x512x64xf32, #tpu.memory_space<hbm>> -> memref<512x64xf32, #tpu.memory_space<hbm>>
    %dma_start3A_272 = arith.constant 0 : i32
    %dma_start3A_273 = arith.constant 0 : i32
    %dma_start3A_274 = tpu.memref_slice %arg3[%add3A_265, %dma_start3A_272, %dma_start3A_273] : memref<1024x512x64xf32, #tpu.memory_space<hbm>> -> memref<1x512x64xf32, #tpu.memory_space<hbm>>
    %dma_start3A_275 = tpu.memref_squeeze %dma_start3A_274 : memref<1x512x64xf32, #tpu.memory_space<hbm>> -> memref<512x64xf32, #tpu.memory_space<hbm>>
    %dma_start3A_276 = arith.constant 0 : i32
    %dma_start3A_277 = tpu.memref_slice %arg4[%sub3A_263, %dma_start3A_276] : memref<1024x64xf32, #tpu.memory_space<vmem>> -> memref<512x64xf32, #tpu.memory_space<vmem>>
    tpu.enqueue_dma source(%dma_start3A_277 : memref<512x64xf32, #tpu.memory_space<vmem>>) target(%dma_start3A_275 : memref<512x64xf32, #tpu.memory_space<hbm>>) target_semaphore(%arg5 : memref<!tpu.dma_semaphore, #tpu.memory_space<semaphore_mem>>)
    %add3A_278 = arith.constant 15 : i32
    %add3A_279 = arith.addi %rem3A_9, %add3A_278 : i32
    %sub3A_280 = arith.constant 511 : i32
    %sub3A_281 = arith.subi %sub3A_280, %add3A_279 : i32
    %add3A_282 = arith.constant 15 : i32
    %add3A_283 = arith.addi %mul3A_8, %add3A_282 : i32
    %dma_start3A_284 = arith.constant 0 : i32
    %dma_start3A_285 = tpu.memref_slice %arg4[%sub3A_281, %dma_start3A_284] : memref<1024x64xf32, #tpu.memory_space<vmem>> -> memref<512x64xf32, #tpu.memory_space<vmem>>
    %dma_start3A_286 = arith.constant 0 : i32
    %dma_start3A_287 = arith.constant 0 : i32
    %dma_start3A_288 = tpu.memref_slice %arg3[%add3A_283, %dma_start3A_286, %dma_start3A_287] : memref<1024x512x64xf32, #tpu.memory_space<hbm>> -> memref<1x512x64xf32, #tpu.memory_space<hbm>>
    %dma_start3A_289 = tpu.memref_squeeze %dma_start3A_288 : memref<1x512x64xf32, #tpu.memory_space<hbm>> -> memref<512x64xf32, #tpu.memory_space<hbm>>
    %dma_start3A_290 = arith.constant 0 : i32
    %dma_start3A_291 = arith.constant 0 : i32
    %dma_start3A_292 = tpu.memref_slice %arg3[%add3A_283, %dma_start3A_290, %dma_start3A_291] : memref<1024x512x64xf32, #tpu.memory_space<hbm>> -> memref<1x512x64xf32, #tpu.memory_space<hbm>>
    %dma_start3A_293 = tpu.memref_squeeze %dma_start3A_292 : memref<1x512x64xf32, #tpu.memory_space<hbm>> -> memref<512x64xf32, #tpu.memory_space<hbm>>
    %dma_start3A_294 = arith.constant 0 : i32
    %dma_start3A_295 = tpu.memref_slice %arg4[%sub3A_281, %dma_start3A_294] : memref<1024x64xf32, #tpu.memory_space<vmem>> -> memref<512x64xf32, #tpu.memory_space<vmem>>
    tpu.enqueue_dma source(%dma_start3A_295 : memref<512x64xf32, #tpu.memory_space<vmem>>) target(%dma_start3A_293 : memref<512x64xf32, #tpu.memory_space<hbm>>) target_semaphore(%arg5 : memref<!tpu.dma_semaphore, #tpu.memory_space<semaphore_mem>>)
    %add3A_296 = arith.constant 16 : i32
    %add3A_297 = arith.addi %rem3A_9, %add3A_296 : i32
    %sub3A_298 = arith.constant 511 : i32
    %sub3A_299 = arith.subi %sub3A_298, %add3A_297 : i32
    %add3A_300 = arith.constant 16 : i32
    %add3A_301 = arith.addi %mul3A_8, %add3A_300 : i32
    %dma_start3A_302 = arith.constant 0 : i32
    %dma_start3A_303 = tpu.memref_slice %arg4[%sub3A_299, %dma_start3A_302] : memref<1024x64xf32, #tpu.memory_space<vmem>> -> memref<512x64xf32, #tpu.memory_space<vmem>>
    %dma_start3A_304 = arith.constant 0 : i32
    %dma_start3A_305 = arith.constant 0 : i32
    %dma_start3A_306 = tpu.memref_slice %arg3[%add3A_301, %dma_start3A_304, %dma_start3A_305] : memref<1024x512x64xf32, #tpu.memory_space<hbm>> -> memref<1x512x64xf32, #tpu.memory_space<hbm>>
    %dma_start3A_307 = tpu.memref_squeeze %dma_start3A_306 : memref<1x512x64xf32, #tpu.memory_space<hbm>> -> memref<512x64xf32, #tpu.memory_space<hbm>>
    %dma_start3A_308 = arith.constant 0 : i32
    %dma_start3A_309 = arith.constant 0 : i32
    %dma_start3A_310 = tpu.memref_slice %arg3[%add3A_301, %dma_start3A_308, %dma_start3A_309] : memref<1024x512x64xf32, #tpu.memory_space<hbm>> -> memref<1x512x64xf32, #tpu.memory_space<hbm>>
    %dma_start3A_311 = tpu.memref_squeeze %dma_start3A_310 : memref<1x512x64xf32, #tpu.memory_space<hbm>> -> memref<512x64xf32, #tpu.memory_space<hbm>>
    %dma_start3A_312 = arith.constant 0 : i32
    %dma_start3A_313 = tpu.memref_slice %arg4[%sub3A_299, %dma_start3A_312] : memref<1024x64xf32, #tpu.memory_space<vmem>> -> memref<512x64xf32, #tpu.memory_space<vmem>>
    tpu.enqueue_dma source(%dma_start3A_313 : memref<512x64xf32, #tpu.memory_space<vmem>>) target(%dma_start3A_311 : memref<512x64xf32, #tpu.memory_space<hbm>>) target_semaphore(%arg5 : memref<!tpu.dma_semaphore, #tpu.memory_space<semaphore_mem>>)
    %add3A_314 = arith.constant 17 : i32
    %add3A_315 = arith.addi %rem3A_9, %add3A_314 : i32
    %sub3A_316 = arith.constant 511 : i32
    %sub3A_317 = arith.subi %sub3A_316, %add3A_315 : i32
    %add3A_318 = arith.constant 17 : i32
    %add3A_319 = arith.addi %mul3A_8, %add3A_318 : i32
    %dma_start3A_320 = arith.constant 0 : i32
    %dma_start3A_321 = tpu.memref_slice %arg4[%sub3A_317, %dma_start3A_320] : memref<1024x64xf32, #tpu.memory_space<vmem>> -> memref<512x64xf32, #tpu.memory_space<vmem>>
    %dma_start3A_322 = arith.constant 0 : i32
    %dma_start3A_323 = arith.constant 0 : i32
    %dma_start3A_324 = tpu.memref_slice %arg3[%add3A_319, %dma_start3A_322, %dma_start3A_323] : memref<1024x512x64xf32, #tpu.memory_space<hbm>> -> memref<1x512x64xf32, #tpu.memory_space<hbm>>
    %dma_start3A_325 = tpu.memref_squeeze %dma_start3A_324 : memref<1x512x64xf32, #tpu.memory_space<hbm>> -> memref<512x64xf32, #tpu.memory_space<hbm>>
    %dma_start3A_326 = arith.constant 0 : i32
    %dma_start3A_327 = arith.constant 0 : i32
    %dma_start3A_328 = tpu.memref_slice %arg3[%add3A_319, %dma_start3A_326, %dma_start3A_327] : memref<1024x512x64xf32, #tpu.memory_space<hbm>> -> memref<1x512x64xf32, #tpu.memory_space<hbm>>
    %dma_start3A_329 = tpu.memref_squeeze %dma_start3A_328 : memref<1x512x64xf32, #tpu.memory_space<hbm>> -> memref<512x64xf32, #tpu.memory_space<hbm>>
    %dma_start3A_330 = arith.constant 0 : i32
    %dma_start3A_331 = tpu.memref_slice %arg4[%sub3A_317, %dma_start3A_330] : memref<1024x64xf32, #tpu.memory_space<vmem>> -> memref<512x64xf32, #tpu.memory_space<vmem>>
    tpu.enqueue_dma source(%dma_start3A_331 : memref<512x64xf32, #tpu.memory_space<vmem>>) target(%dma_start3A_329 : memref<512x64xf32, #tpu.memory_space<hbm>>) target_semaphore(%arg5 : memref<!tpu.dma_semaphore, #tpu.memory_space<semaphore_mem>>)
    %add3A_332 = arith.constant 18 : i32
    %add3A_333 = arith.addi %rem3A_9, %add3A_332 : i32
    %sub3A_334 = arith.constant 511 : i32
    %sub3A_335 = arith.subi %sub3A_334, %add3A_333 : i32
    %add3A_336 = arith.constant 18 : i32
    %add3A_337 = arith.addi %mul3A_8, %add3A_336 : i32
    %dma_start3A_338 = arith.constant 0 : i32
    %dma_start3A_339 = tpu.memref_slice %arg4[%sub3A_335, %dma_start3A_338] : memref<1024x64xf32, #tpu.memory_space<vmem>> -> memref<512x64xf32, #tpu.memory_space<vmem>>
    %dma_start3A_340 = arith.constant 0 : i32
    %dma_start3A_341 = arith.constant 0 : i32
    %dma_start3A_342 = tpu.memref_slice %arg3[%add3A_337, %dma_start3A_340, %dma_start3A_341] : memref<1024x512x64xf32, #tpu.memory_space<hbm>> -> memref<1x512x64xf32, #tpu.memory_space<hbm>>
    %dma_start3A_343 = tpu.memref_squeeze %dma_start3A_342 : memref<1x512x64xf32, #tpu.memory_space<hbm>> -> memref<512x64xf32, #tpu.memory_space<hbm>>
    %dma_start3A_344 = arith.constant 0 : i32
    %dma_start3A_345 = arith.constant 0 : i32
    %dma_start3A_346 = tpu.memref_slice %arg3[%add3A_337, %dma_start3A_344, %dma_start3A_345] : memref<1024x512x64xf32, #tpu.memory_space<hbm>> -> memref<1x512x64xf32, #tpu.memory_space<hbm>>
    %dma_start3A_347 = tpu.memref_squeeze %dma_start3A_346 : memref<1x512x64xf32, #tpu.memory_space<hbm>> -> memref<512x64xf32, #tpu.memory_space<hbm>>
    %dma_start3A_348 = arith.constant 0 : i32
    %dma_start3A_349 = tpu.memref_slice %arg4[%sub3A_335, %dma_start3A_348] : memref<1024x64xf32, #tpu.memory_space<vmem>> -> memref<512x64xf32, #tpu.memory_space<vmem>>
    tpu.enqueue_dma source(%dma_start3A_349 : memref<512x64xf32, #tpu.memory_space<vmem>>) target(%dma_start3A_347 : memref<512x64xf32, #tpu.memory_space<hbm>>) target_semaphore(%arg5 : memref<!tpu.dma_semaphore, #tpu.memory_space<semaphore_mem>>)
    %add3A_350 = arith.constant 19 : i32
    %add3A_351 = arith.addi %rem3A_9, %add3A_350 : i32
    %sub3A_352 = arith.constant 511 : i32
    %sub3A_353 = arith.subi %sub3A_352, %add3A_351 : i32
    %add3A_354 = arith.constant 19 : i32
    %add3A_355 = arith.addi %mul3A_8, %add3A_354 : i32
    %dma_start3A_356 = arith.constant 0 : i32
    %dma_start3A_357 = tpu.memref_slice %arg4[%sub3A_353, %dma_start3A_356] : memref<1024x64xf32, #tpu.memory_space<vmem>> -> memref<512x64xf32, #tpu.memory_space<vmem>>
    %dma_start3A_358 = arith.constant 0 : i32
    %dma_start3A_359 = arith.constant 0 : i32
    %dma_start3A_360 = tpu.memref_slice %arg3[%add3A_355, %dma_start3A_358, %dma_start3A_359] : memref<1024x512x64xf32, #tpu.memory_space<hbm>> -> memref<1x512x64xf32, #tpu.memory_space<hbm>>
    %dma_start3A_361 = tpu.memref_squeeze %dma_start3A_360 : memref<1x512x64xf32, #tpu.memory_space<hbm>> -> memref<512x64xf32, #tpu.memory_space<hbm>>
    %dma_start3A_362 = arith.constant 0 : i32
    %dma_start3A_363 = arith.constant 0 : i32
    %dma_start3A_364 = tpu.memref_slice %arg3[%add3A_355, %dma_start3A_362, %dma_start3A_363] : memref<1024x512x64xf32, #tpu.memory_space<hbm>> -> memref<1x512x64xf32, #tpu.memory_space<hbm>>
    %dma_start3A_365 = tpu.memref_squeeze %dma_start3A_364 : memref<1x512x64xf32, #tpu.memory_space<hbm>> -> memref<512x64xf32, #tpu.memory_space<hbm>>
    %dma_start3A_366 = arith.constant 0 : i32
    %dma_start3A_367 = tpu.memref_slice %arg4[%sub3A_353, %dma_start3A_366] : memref<1024x64xf32, #tpu.memory_space<vmem>> -> memref<512x64xf32, #tpu.memory_space<vmem>>
    tpu.enqueue_dma source(%dma_start3A_367 : memref<512x64xf32, #tpu.memory_space<vmem>>) target(%dma_start3A_365 : memref<512x64xf32, #tpu.memory_space<hbm>>) target_semaphore(%arg5 : memref<!tpu.dma_semaphore, #tpu.memory_space<semaphore_mem>>)
    %add3A_368 = arith.constant 20 : i32
    %add3A_369 = arith.addi %rem3A_9, %add3A_368 : i32
    %sub3A_370 = arith.constant 511 : i32
    %sub3A_371 = arith.subi %sub3A_370, %add3A_369 : i32
    %add3A_372 = arith.constant 20 : i32
    %add3A_373 = arith.addi %mul3A_8, %add3A_372 : i32
    %dma_start3A_374 = arith.constant 0 : i32
    %dma_start3A_375 = tpu.memref_slice %arg4[%sub3A_371, %dma_start3A_374] : memref<1024x64xf32, #tpu.memory_space<vmem>> -> memref<512x64xf32, #tpu.memory_space<vmem>>
    %dma_start3A_376 = arith.constant 0 : i32
    %dma_start3A_377 = arith.constant 0 : i32
    %dma_start3A_378 = tpu.memref_slice %arg3[%add3A_373, %dma_start3A_376, %dma_start3A_377] : memref<1024x512x64xf32, #tpu.memory_space<hbm>> -> memref<1x512x64xf32, #tpu.memory_space<hbm>>
    %dma_start3A_379 = tpu.memref_squeeze %dma_start3A_378 : memref<1x512x64xf32, #tpu.memory_space<hbm>> -> memref<512x64xf32, #tpu.memory_space<hbm>>
    %dma_start3A_380 = arith.constant 0 : i32
    %dma_start3A_381 = arith.constant 0 : i32
    %dma_start3A_382 = tpu.memref_slice %arg3[%add3A_373, %dma_start3A_380, %dma_start3A_381] : memref<1024x512x64xf32, #tpu.memory_space<hbm>> -> memref<1x512x64xf32, #tpu.memory_space<hbm>>
    %dma_start3A_383 = tpu.memref_squeeze %dma_start3A_382 : memref<1x512x64xf32, #tpu.memory_space<hbm>> -> memref<512x64xf32, #tpu.memory_space<hbm>>
    %dma_start3A_384 = arith.constant 0 : i32
    %dma_start3A_385 = tpu.memref_slice %arg4[%sub3A_371, %dma_start3A_384] : memref<1024x64xf32, #tpu.memory_space<vmem>> -> memref<512x64xf32, #tpu.memory_space<vmem>>
    tpu.enqueue_dma source(%dma_start3A_385 : memref<512x64xf32, #tpu.memory_space<vmem>>) target(%dma_start3A_383 : memref<512x64xf32, #tpu.memory_space<hbm>>) target_semaphore(%arg5 : memref<!tpu.dma_semaphore, #tpu.memory_space<semaphore_mem>>)
    %add3A_386 = arith.constant 21 : i32
    %add3A_387 = arith.addi %rem3A_9, %add3A_386 : i32
    %sub3A_388 = arith.constant 511 : i32
    %sub3A_389 = arith.subi %sub3A_388, %add3A_387 : i32
    %add3A_390 = arith.constant 21 : i32
    %add3A_391 = arith.addi %mul3A_8, %add3A_390 : i32
    %dma_start3A_392 = arith.constant 0 : i32
    %dma_start3A_393 = tpu.memref_slice %arg4[%sub3A_389, %dma_start3A_392] : memref<1024x64xf32, #tpu.memory_space<vmem>> -> memref<512x64xf32, #tpu.memory_space<vmem>>
    %dma_start3A_394 = arith.constant 0 : i32
    %dma_start3A_395 = arith.constant 0 : i32
    %dma_start3A_396 = tpu.memref_slice %arg3[%add3A_391, %dma_start3A_394, %dma_start3A_395] : memref<1024x512x64xf32, #tpu.memory_space<hbm>> -> memref<1x512x64xf32, #tpu.memory_space<hbm>>
    %dma_start3A_397 = tpu.memref_squeeze %dma_start3A_396 : memref<1x512x64xf32, #tpu.memory_space<hbm>> -> memref<512x64xf32, #tpu.memory_space<hbm>>
    %dma_start3A_398 = arith.constant 0 : i32
    %dma_start3A_399 = arith.constant 0 : i32
    %dma_start3A_400 = tpu.memref_slice %arg3[%add3A_391, %dma_start3A_398, %dma_start3A_399] : memref<1024x512x64xf32, #tpu.memory_space<hbm>> -> memref<1x512x64xf32, #tpu.memory_space<hbm>>
    %dma_start3A_401 = tpu.memref_squeeze %dma_start3A_400 : memref<1x512x64xf32, #tpu.memory_space<hbm>> -> memref<512x64xf32, #tpu.memory_space<hbm>>
    %dma_start3A_402 = arith.constant 0 : i32
    %dma_start3A_403 = tpu.memref_slice %arg4[%sub3A_389, %dma_start3A_402] : memref<1024x64xf32, #tpu.memory_space<vmem>> -> memref<512x64xf32, #tpu.memory_space<vmem>>
    tpu.enqueue_dma source(%dma_start3A_403 : memref<512x64xf32, #tpu.memory_space<vmem>>) target(%dma_start3A_401 : memref<512x64xf32, #tpu.memory_space<hbm>>) target_semaphore(%arg5 : memref<!tpu.dma_semaphore, #tpu.memory_space<semaphore_mem>>)
    %add3A_404 = arith.constant 22 : i32
    %add3A_405 = arith.addi %rem3A_9, %add3A_404 : i32
    %sub3A_406 = arith.constant 511 : i32
    %sub3A_407 = arith.subi %sub3A_406, %add3A_405 : i32
    %add3A_408 = arith.constant 22 : i32
    %add3A_409 = arith.addi %mul3A_8, %add3A_408 : i32
    %dma_start3A_410 = arith.constant 0 : i32
    %dma_start3A_411 = tpu.memref_slice %arg4[%sub3A_407, %dma_start3A_410] : memref<1024x64xf32, #tpu.memory_space<vmem>> -> memref<512x64xf32, #tpu.memory_space<vmem>>
    %dma_start3A_412 = arith.constant 0 : i32
    %dma_start3A_413 = arith.constant 0 : i32
    %dma_start3A_414 = tpu.memref_slice %arg3[%add3A_409, %dma_start3A_412, %dma_start3A_413] : memref<1024x512x64xf32, #tpu.memory_space<hbm>> -> memref<1x512x64xf32, #tpu.memory_space<hbm>>
    %dma_start3A_415 = tpu.memref_squeeze %dma_start3A_414 : memref<1x512x64xf32, #tpu.memory_space<hbm>> -> memref<512x64xf32, #tpu.memory_space<hbm>>
    %dma_start3A_416 = arith.constant 0 : i32
    %dma_start3A_417 = arith.constant 0 : i32
    %dma_start3A_418 = tpu.memref_slice %arg3[%add3A_409, %dma_start3A_416, %dma_start3A_417] : memref<1024x512x64xf32, #tpu.memory_space<hbm>> -> memref<1x512x64xf32, #tpu.memory_space<hbm>>
    %dma_start3A_419 = tpu.memref_squeeze %dma_start3A_418 : memref<1x512x64xf32, #tpu.memory_space<hbm>> -> memref<512x64xf32, #tpu.memory_space<hbm>>
    %dma_start3A_420 = arith.constant 0 : i32
    %dma_start3A_421 = tpu.memref_slice %arg4[%sub3A_407, %dma_start3A_420] : memref<1024x64xf32, #tpu.memory_space<vmem>> -> memref<512x64xf32, #tpu.memory_space<vmem>>
    tpu.enqueue_dma source(%dma_start3A_421 : memref<512x64xf32, #tpu.memory_space<vmem>>) target(%dma_start3A_419 : memref<512x64xf32, #tpu.memory_space<hbm>>) target_semaphore(%arg5 : memref<!tpu.dma_semaphore, #tpu.memory_space<semaphore_mem>>)
    %add3A_422 = arith.constant 23 : i32
    %add3A_423 = arith.addi %rem3A_9, %add3A_422 : i32
    %sub3A_424 = arith.constant 511 : i32
    %sub3A_425 = arith.subi %sub3A_424, %add3A_423 : i32
    %add3A_426 = arith.constant 23 : i32
    %add3A_427 = arith.addi %mul3A_8, %add3A_426 : i32
    %dma_start3A_428 = arith.constant 0 : i32
    %dma_start3A_429 = tpu.memref_slice %arg4[%sub3A_425, %dma_start3A_428] : memref<1024x64xf32, #tpu.memory_space<vmem>> -> memref<512x64xf32, #tpu.memory_space<vmem>>
    %dma_start3A_430 = arith.constant 0 : i32
    %dma_start3A_431 = arith.constant 0 : i32
    %dma_start3A_432 = tpu.memref_slice %arg3[%add3A_427, %dma_start3A_430, %dma_start3A_431] : memref<1024x512x64xf32, #tpu.memory_space<hbm>> -> memref<1x512x64xf32, #tpu.memory_space<hbm>>
    %dma_start3A_433 = tpu.memref_squeeze %dma_start3A_432 : memref<1x512x64xf32, #tpu.memory_space<hbm>> -> memref<512x64xf32, #tpu.memory_space<hbm>>
    %dma_start3A_434 = arith.constant 0 : i32
    %dma_start3A_435 = arith.constant 0 : i32
    %dma_start3A_436 = tpu.memref_slice %arg3[%add3A_427, %dma_start3A_434, %dma_start3A_435] : memref<1024x512x64xf32, #tpu.memory_space<hbm>> -> memref<1x512x64xf32, #tpu.memory_space<hbm>>
    %dma_start3A_437 = tpu.memref_squeeze %dma_start3A_436 : memref<1x512x64xf32, #tpu.memory_space<hbm>> -> memref<512x64xf32, #tpu.memory_space<hbm>>
    %dma_start3A_438 = arith.constant 0 : i32
    %dma_start3A_439 = tpu.memref_slice %arg4[%sub3A_425, %dma_start3A_438] : memref<1024x64xf32, #tpu.memory_space<vmem>> -> memref<512x64xf32, #tpu.memory_space<vmem>>
    tpu.enqueue_dma source(%dma_start3A_439 : memref<512x64xf32, #tpu.memory_space<vmem>>) target(%dma_start3A_437 : memref<512x64xf32, #tpu.memory_space<hbm>>) target_semaphore(%arg5 : memref<!tpu.dma_semaphore, #tpu.memory_space<semaphore_mem>>)
    %add3A_440 = arith.constant 24 : i32
    %add3A_441 = arith.addi %rem3A_9, %add3A_440 : i32
    %sub3A_442 = arith.constant 511 : i32
    %sub3A_443 = arith.subi %sub3A_442, %add3A_441 : i32
    %add3A_444 = arith.constant 24 : i32
    %add3A_445 = arith.addi %mul3A_8, %add3A_444 : i32
    %dma_start3A_446 = arith.constant 0 : i32
    %dma_start3A_447 = tpu.memref_slice %arg4[%sub3A_443, %dma_start3A_446] : memref<1024x64xf32, #tpu.memory_space<vmem>> -> memref<512x64xf32, #tpu.memory_space<vmem>>
    %dma_start3A_448 = arith.constant 0 : i32
    %dma_start3A_449 = arith.constant 0 : i32
    %dma_start3A_450 = tpu.memref_slice %arg3[%add3A_445, %dma_start3A_448, %dma_start3A_449] : memref<1024x512x64xf32, #tpu.memory_space<hbm>> -> memref<1x512x64xf32, #tpu.memory_space<hbm>>
    %dma_start3A_451 = tpu.memref_squeeze %dma_start3A_450 : memref<1x512x64xf32, #tpu.memory_space<hbm>> -> memref<512x64xf32, #tpu.memory_space<hbm>>
    %dma_start3A_452 = arith.constant 0 : i32
    %dma_start3A_453 = arith.constant 0 : i32
    %dma_start3A_454 = tpu.memref_slice %arg3[%add3A_445, %dma_start3A_452, %dma_start3A_453] : memref<1024x512x64xf32, #tpu.memory_space<hbm>> -> memref<1x512x64xf32, #tpu.memory_space<hbm>>
    %dma_start3A_455 = tpu.memref_squeeze %dma_start3A_454 : memref<1x512x64xf32, #tpu.memory_space<hbm>> -> memref<512x64xf32, #tpu.memory_space<hbm>>
    %dma_start3A_456 = arith.constant 0 : i32
    %dma_start3A_457 = tpu.memref_slice %arg4[%sub3A_443, %dma_start3A_456] : memref<1024x64xf32, #tpu.memory_space<vmem>> -> memref<512x64xf32, #tpu.memory_space<vmem>>
    tpu.enqueue_dma source(%dma_start3A_457 : memref<512x64xf32, #tpu.memory_space<vmem>>) target(%dma_start3A_455 : memref<512x64xf32, #tpu.memory_space<hbm>>) target_semaphore(%arg5 : memref<!tpu.dma_semaphore, #tpu.memory_space<semaphore_mem>>)
    %add3A_458 = arith.constant 25 : i32
    %add3A_459 = arith.addi %rem3A_9, %add3A_458 : i32
    %sub3A_460 = arith.constant 511 : i32
    %sub3A_461 = arith.subi %sub3A_460, %add3A_459 : i32
    %add3A_462 = arith.constant 25 : i32
    %add3A_463 = arith.addi %mul3A_8, %add3A_462 : i32
    %dma_start3A_464 = arith.constant 0 : i32
    %dma_start3A_465 = tpu.memref_slice %arg4[%sub3A_461, %dma_start3A_464] : memref<1024x64xf32, #tpu.memory_space<vmem>> -> memref<512x64xf32, #tpu.memory_space<vmem>>
    %dma_start3A_466 = arith.constant 0 : i32
    %dma_start3A_467 = arith.constant 0 : i32
    %dma_start3A_468 = tpu.memref_slice %arg3[%add3A_463, %dma_start3A_466, %dma_start3A_467] : memref<1024x512x64xf32, #tpu.memory_space<hbm>> -> memref<1x512x64xf32, #tpu.memory_space<hbm>>
    %dma_start3A_469 = tpu.memref_squeeze %dma_start3A_468 : memref<1x512x64xf32, #tpu.memory_space<hbm>> -> memref<512x64xf32, #tpu.memory_space<hbm>>
    %dma_start3A_470 = arith.constant 0 : i32
    %dma_start3A_471 = arith.constant 0 : i32
    %dma_start3A_472 = tpu.memref_slice %arg3[%add3A_463, %dma_start3A_470, %dma_start3A_471] : memref<1024x512x64xf32, #tpu.memory_space<hbm>> -> memref<1x512x64xf32, #tpu.memory_space<hbm>>
    %dma_start3A_473 = tpu.memref_squeeze %dma_start3A_472 : memref<1x512x64xf32, #tpu.memory_space<hbm>> -> memref<512x64xf32, #tpu.memory_space<hbm>>
    %dma_start3A_474 = arith.constant 0 : i32
    %dma_start3A_475 = tpu.memref_slice %arg4[%sub3A_461, %dma_start3A_474] : memref<1024x64xf32, #tpu.memory_space<vmem>> -> memref<512x64xf32, #tpu.memory_space<vmem>>
    tpu.enqueue_dma source(%dma_start3A_475 : memref<512x64xf32, #tpu.memory_space<vmem>>) target(%dma_start3A_473 : memref<512x64xf32, #tpu.memory_space<hbm>>) target_semaphore(%arg5 : memref<!tpu.dma_semaphore, #tpu.memory_space<semaphore_mem>>)
    %add3A_476 = arith.constant 26 : i32
    %add3A_477 = arith.addi %rem3A_9, %add3A_476 : i32
    %sub3A_478 = arith.constant 511 : i32
    %sub3A_479 = arith.subi %sub3A_478, %add3A_477 : i32
    %add3A_480 = arith.constant 26 : i32
    %add3A_481 = arith.addi %mul3A_8, %add3A_480 : i32
    %dma_start3A_482 = arith.constant 0 : i32
    %dma_start3A_483 = tpu.memref_slice %arg4[%sub3A_479, %dma_start3A_482] : memref<1024x64xf32, #tpu.memory_space<vmem>> -> memref<512x64xf32, #tpu.memory_space<vmem>>
    %dma_start3A_484 = arith.constant 0 : i32
    %dma_start3A_485 = arith.constant 0 : i32
    %dma_start3A_486 = tpu.memref_slice %arg3[%add3A_481, %dma_start3A_484, %dma_start3A_485] : memref<1024x512x64xf32, #tpu.memory_space<hbm>> -> memref<1x512x64xf32, #tpu.memory_space<hbm>>
    %dma_start3A_487 = tpu.memref_squeeze %dma_start3A_486 : memref<1x512x64xf32, #tpu.memory_space<hbm>> -> memref<512x64xf32, #tpu.memory_space<hbm>>
    %dma_start3A_488 = arith.constant 0 : i32
    %dma_start3A_489 = arith.constant 0 : i32
    %dma_start3A_490 = tpu.memref_slice %arg3[%add3A_481, %dma_start3A_488, %dma_start3A_489] : memref<1024x512x64xf32, #tpu.memory_space<hbm>> -> memref<1x512x64xf32, #tpu.memory_space<hbm>>
    %dma_start3A_491 = tpu.memref_squeeze %dma_start3A_490 : memref<1x512x64xf32, #tpu.memory_space<hbm>> -> memref<512x64xf32, #tpu.memory_space<hbm>>
    %dma_start3A_492 = arith.constant 0 : i32
    %dma_start3A_493 = tpu.memref_slice %arg4[%sub3A_479, %dma_start3A_492] : memref<1024x64xf32, #tpu.memory_space<vmem>> -> memref<512x64xf32, #tpu.memory_space<vmem>>
    tpu.enqueue_dma source(%dma_start3A_493 : memref<512x64xf32, #tpu.memory_space<vmem>>) target(%dma_start3A_491 : memref<512x64xf32, #tpu.memory_space<hbm>>) target_semaphore(%arg5 : memref<!tpu.dma_semaphore, #tpu.memory_space<semaphore_mem>>)
    %add3A_494 = arith.constant 27 : i32
    %add3A_495 = arith.addi %rem3A_9, %add3A_494 : i32
    %sub3A_496 = arith.constant 511 : i32
    %sub3A_497 = arith.subi %sub3A_496, %add3A_495 : i32
    %add3A_498 = arith.constant 27 : i32
    %add3A_499 = arith.addi %mul3A_8, %add3A_498 : i32
    %dma_start3A_500 = arith.constant 0 : i32
    %dma_start3A_501 = tpu.memref_slice %arg4[%sub3A_497, %dma_start3A_500] : memref<1024x64xf32, #tpu.memory_space<vmem>> -> memref<512x64xf32, #tpu.memory_space<vmem>>
    %dma_start3A_502 = arith.constant 0 : i32
    %dma_start3A_503 = arith.constant 0 : i32
    %dma_start3A_504 = tpu.memref_slice %arg3[%add3A_499, %dma_start3A_502, %dma_start3A_503] : memref<1024x512x64xf32, #tpu.memory_space<hbm>> -> memref<1x512x64xf32, #tpu.memory_space<hbm>>
    %dma_start3A_505 = tpu.memref_squeeze %dma_start3A_504 : memref<1x512x64xf32, #tpu.memory_space<hbm>> -> memref<512x64xf32, #tpu.memory_space<hbm>>
    %dma_start3A_506 = arith.constant 0 : i32
    %dma_start3A_507 = arith.constant 0 : i32
    %dma_start3A_508 = tpu.memref_slice %arg3[%add3A_499, %dma_start3A_506, %dma_start3A_507] : memref<1024x512x64xf32, #tpu.memory_space<hbm>> -> memref<1x512x64xf32, #tpu.memory_space<hbm>>
    %dma_start3A_509 = tpu.memref_squeeze %dma_start3A_508 : memref<1x512x64xf32, #tpu.memory_space<hbm>> -> memref<512x64xf32, #tpu.memory_space<hbm>>
    %dma_start3A_510 = arith.constant 0 : i32
    %dma_start3A_511 = tpu.memref_slice %arg4[%sub3A_497, %dma_start3A_510] : memref<1024x64xf32, #tpu.memory_space<vmem>> -> memref<512x64xf32, #tpu.memory_space<vmem>>
    tpu.enqueue_dma source(%dma_start3A_511 : memref<512x64xf32, #tpu.memory_space<vmem>>) target(%dma_start3A_509 : memref<512x64xf32, #tpu.memory_space<hbm>>) target_semaphore(%arg5 : memref<!tpu.dma_semaphore, #tpu.memory_space<semaphore_mem>>)
    %add3A_512 = arith.constant 28 : i32
    %add3A_513 = arith.addi %rem3A_9, %add3A_512 : i32
    %sub3A_514 = arith.constant 511 : i32
    %sub3A_515 = arith.subi %sub3A_514, %add3A_513 : i32
    %add3A_516 = arith.constant 28 : i32
    %add3A_517 = arith.addi %mul3A_8, %add3A_516 : i32
    %dma_start3A_518 = arith.constant 0 : i32
    %dma_start3A_519 = tpu.memref_slice %arg4[%sub3A_515, %dma_start3A_518] : memref<1024x64xf32, #tpu.memory_space<vmem>> -> memref<512x64xf32, #tpu.memory_space<vmem>>
    %dma_start3A_520 = arith.constant 0 : i32
    %dma_start3A_521 = arith.constant 0 : i32
    %dma_start3A_522 = tpu.memref_slice %arg3[%add3A_517, %dma_start3A_520, %dma_start3A_521] : memref<1024x512x64xf32, #tpu.memory_space<hbm>> -> memref<1x512x64xf32, #tpu.memory_space<hbm>>
    %dma_start3A_523 = tpu.memref_squeeze %dma_start3A_522 : memref<1x512x64xf32, #tpu.memory_space<hbm>> -> memref<512x64xf32, #tpu.memory_space<hbm>>
    %dma_start3A_524 = arith.constant 0 : i32
    %dma_start3A_525 = arith.constant 0 : i32
    %dma_start3A_526 = tpu.memref_slice %arg3[%add3A_517, %dma_start3A_524, %dma_start3A_525] : memref<1024x512x64xf32, #tpu.memory_space<hbm>> -> memref<1x512x64xf32, #tpu.memory_space<hbm>>
    %dma_start3A_527 = tpu.memref_squeeze %dma_start3A_526 : memref<1x512x64xf32, #tpu.memory_space<hbm>> -> memref<512x64xf32, #tpu.memory_space<hbm>>
    %dma_start3A_528 = arith.constant 0 : i32
    %dma_start3A_529 = tpu.memref_slice %arg4[%sub3A_515, %dma_start3A_528] : memref<1024x64xf32, #tpu.memory_space<vmem>> -> memref<512x64xf32, #tpu.memory_space<vmem>>
    tpu.enqueue_dma source(%dma_start3A_529 : memref<512x64xf32, #tpu.memory_space<vmem>>) target(%dma_start3A_527 : memref<512x64xf32, #tpu.memory_space<hbm>>) target_semaphore(%arg5 : memref<!tpu.dma_semaphore, #tpu.memory_space<semaphore_mem>>)
    %add3A_530 = arith.constant 29 : i32
    %add3A_531 = arith.addi %rem3A_9, %add3A_530 : i32
    %sub3A_532 = arith.constant 511 : i32
    %sub3A_533 = arith.subi %sub3A_532, %add3A_531 : i32
    %add3A_534 = arith.constant 29 : i32
    %add3A_535 = arith.addi %mul3A_8, %add3A_534 : i32
    %dma_start3A_536 = arith.constant 0 : i32
    %dma_start3A_537 = tpu.memref_slice %arg4[%sub3A_533, %dma_start3A_536] : memref<1024x64xf32, #tpu.memory_space<vmem>> -> memref<512x64xf32, #tpu.memory_space<vmem>>
    %dma_start3A_538 = arith.constant 0 : i32
    %dma_start3A_539 = arith.constant 0 : i32
    %dma_start3A_540 = tpu.memref_slice %arg3[%add3A_535, %dma_start3A_538, %dma_start3A_539] : memref<1024x512x64xf32, #tpu.memory_space<hbm>> -> memref<1x512x64xf32, #tpu.memory_space<hbm>>
    %dma_start3A_541 = tpu.memref_squeeze %dma_start3A_540 : memref<1x512x64xf32, #tpu.memory_space<hbm>> -> memref<512x64xf32, #tpu.memory_space<hbm>>
    %dma_start3A_542 = arith.constant 0 : i32
    %dma_start3A_543 = arith.constant 0 : i32
    %dma_start3A_544 = tpu.memref_slice %arg3[%add3A_535, %dma_start3A_542, %dma_start3A_543] : memref<1024x512x64xf32, #tpu.memory_space<hbm>> -> memref<1x512x64xf32, #tpu.memory_space<hbm>>
    %dma_start3A_545 = tpu.memref_squeeze %dma_start3A_544 : memref<1x512x64xf32, #tpu.memory_space<hbm>> -> memref<512x64xf32, #tpu.memory_space<hbm>>
    %dma_start3A_546 = arith.constant 0 : i32
    %dma_start3A_547 = tpu.memref_slice %arg4[%sub3A_533, %dma_start3A_546] : memref<1024x64xf32, #tpu.memory_space<vmem>> -> memref<512x64xf32, #tpu.memory_space<vmem>>
    tpu.enqueue_dma source(%dma_start3A_547 : memref<512x64xf32, #tpu.memory_space<vmem>>) target(%dma_start3A_545 : memref<512x64xf32, #tpu.memory_space<hbm>>) target_semaphore(%arg5 : memref<!tpu.dma_semaphore, #tpu.memory_space<semaphore_mem>>)
    %add3A_548 = arith.constant 30 : i32
    %add3A_549 = arith.addi %rem3A_9, %add3A_548 : i32
    %sub3A_550 = arith.constant 511 : i32
    %sub3A_551 = arith.subi %sub3A_550, %add3A_549 : i32
    %add3A_552 = arith.constant 30 : i32
    %add3A_553 = arith.addi %mul3A_8, %add3A_552 : i32
    %dma_start3A_554 = arith.constant 0 : i32
    %dma_start3A_555 = tpu.memref_slice %arg4[%sub3A_551, %dma_start3A_554] : memref<1024x64xf32, #tpu.memory_space<vmem>> -> memref<512x64xf32, #tpu.memory_space<vmem>>
    %dma_start3A_556 = arith.constant 0 : i32
    %dma_start3A_557 = arith.constant 0 : i32
    %dma_start3A_558 = tpu.memref_slice %arg3[%add3A_553, %dma_start3A_556, %dma_start3A_557] : memref<1024x512x64xf32, #tpu.memory_space<hbm>> -> memref<1x512x64xf32, #tpu.memory_space<hbm>>
    %dma_start3A_559 = tpu.memref_squeeze %dma_start3A_558 : memref<1x512x64xf32, #tpu.memory_space<hbm>> -> memref<512x64xf32, #tpu.memory_space<hbm>>
    %dma_start3A_560 = arith.constant 0 : i32
    %dma_start3A_561 = arith.constant 0 : i32
    %dma_start3A_562 = tpu.memref_slice %arg3[%add3A_553, %dma_start3A_560, %dma_start3A_561] : memref<1024x512x64xf32, #tpu.memory_space<hbm>> -> memref<1x512x64xf32, #tpu.memory_space<hbm>>
    %dma_start3A_563 = tpu.memref_squeeze %dma_start3A_562 : memref<1x512x64xf32, #tpu.memory_space<hbm>> -> memref<512x64xf32, #tpu.memory_space<hbm>>
    %dma_start3A_564 = arith.constant 0 : i32
    %dma_start3A_565 = tpu.memref_slice %arg4[%sub3A_551, %dma_start3A_564] : memref<1024x64xf32, #tpu.memory_space<vmem>> -> memref<512x64xf32, #tpu.memory_space<vmem>>
    tpu.enqueue_dma source(%dma_start3A_565 : memref<512x64xf32, #tpu.memory_space<vmem>>) target(%dma_start3A_563 : memref<512x64xf32, #tpu.memory_space<hbm>>) target_semaphore(%arg5 : memref<!tpu.dma_semaphore, #tpu.memory_space<semaphore_mem>>)
    %add3A_566 = arith.constant 31 : i32
    %add3A_567 = arith.addi %rem3A_9, %add3A_566 : i32
    %sub3A_568 = arith.constant 511 : i32
    %sub3A_569 = arith.subi %sub3A_568, %add3A_567 : i32
    %add3A_570 = arith.constant 31 : i32
    %add3A_571 = arith.addi %mul3A_8, %add3A_570 : i32
    %dma_start3A_572 = arith.constant 0 : i32
    %dma_start3A_573 = tpu.memref_slice %arg4[%sub3A_569, %dma_start3A_572] : memref<1024x64xf32, #tpu.memory_space<vmem>> -> memref<512x64xf32, #tpu.memory_space<vmem>>
    %dma_start3A_574 = arith.constant 0 : i32
    %dma_start3A_575 = arith.constant 0 : i32
    %dma_start3A_576 = tpu.memref_slice %arg3[%add3A_571, %dma_start3A_574, %dma_start3A_575] : memref<1024x512x64xf32, #tpu.memory_space<hbm>> -> memref<1x512x64xf32, #tpu.memory_space<hbm>>
    %dma_start3A_577 = tpu.memref_squeeze %dma_start3A_576 : memref<1x512x64xf32, #tpu.memory_space<hbm>> -> memref<512x64xf32, #tpu.memory_space<hbm>>
    %dma_start3A_578 = arith.constant 0 : i32
    %dma_start3A_579 = arith.constant 0 : i32
    %dma_start3A_580 = tpu.memref_slice %arg3[%add3A_571, %dma_start3A_578, %dma_start3A_579] : memref<1024x512x64xf32, #tpu.memory_space<hbm>> -> memref<1x512x64xf32, #tpu.memory_space<hbm>>
    %dma_start3A_581 = tpu.memref_squeeze %dma_start3A_580 : memref<1x512x64xf32, #tpu.memory_space<hbm>> -> memref<512x64xf32, #tpu.memory_space<hbm>>
    %dma_start3A_582 = arith.constant 0 : i32
    %dma_start3A_583 = tpu.memref_slice %arg4[%sub3A_569, %dma_start3A_582] : memref<1024x64xf32, #tpu.memory_space<vmem>> -> memref<512x64xf32, #tpu.memory_space<vmem>>
    tpu.enqueue_dma source(%dma_start3A_583 : memref<512x64xf32, #tpu.memory_space<vmem>>) target(%dma_start3A_581 : memref<512x64xf32, #tpu.memory_space<hbm>>) target_semaphore(%arg5 : memref<!tpu.dma_semaphore, #tpu.memory_space<semaphore_mem>>)
    %dma_wait3A = arith.constant 0 : i32
    %dma_wait3A_584 = tpu.memref_slice %arg4[%sub3A_12, %dma_wait3A] : memref<1024x64xf32, #tpu.memory_space<vmem>> -> memref<512x64xf32, #tpu.memory_space<vmem>>
    %dma_wait3A_585 = arith.constant 0 : i32
    %dma_wait3A_586 = arith.constant 0 : i32
    %dma_wait3A_587 = tpu.memref_slice %arg3[%add3A_14, %dma_wait3A_585, %dma_wait3A_586] : memref<1024x512x64xf32, #tpu.memory_space<hbm>> -> memref<1x512x64xf32, #tpu.memory_space<hbm>>
    %dma_wait3A_588 = tpu.memref_squeeze %dma_wait3A_587 : memref<1x512x64xf32, #tpu.memory_space<hbm>> -> memref<512x64xf32, #tpu.memory_space<hbm>>
    %dma_wait3A_589 = arith.constant 0 : i32
    %dma_wait3A_590 = arith.constant 0 : i32
    %dma_wait3A_591 = tpu.memref_slice %arg3[%add3A_14, %dma_wait3A_589, %dma_wait3A_590] : memref<1024x512x64xf32, #tpu.memory_space<hbm>> -> memref<1x512x64xf32, #tpu.memory_space<hbm>>
    %dma_wait3A_592 = tpu.memref_squeeze %dma_wait3A_591 : memref<1x512x64xf32, #tpu.memory_space<hbm>> -> memref<512x64xf32, #tpu.memory_space<hbm>>
    %dma_wait3A_593 = arith.constant 0 : i32
    %dma_wait3A_594 = tpu.memref_slice %arg4[%sub3A_12, %dma_wait3A_593] : memref<1024x64xf32, #tpu.memory_space<vmem>> -> memref<512x64xf32, #tpu.memory_space<vmem>>
    tpu.wait_dma2 semaphore(%arg5 : memref<!tpu.dma_semaphore, #tpu.memory_space<semaphore_mem>>) src(%dma_wait3A_594 : memref<512x64xf32, #tpu.memory_space<vmem>>) dst(%dma_wait3A_592 : memref<512x64xf32, #tpu.memory_space<hbm>>)
    %dma_wait3A_595 = arith.constant 0 : i32
    %dma_wait3A_596 = tpu.memref_slice %arg4[%sub3A_29, %dma_wait3A_595] : memref<1024x64xf32, #tpu.memory_space<vmem>> -> memref<512x64xf32, #tpu.memory_space<vmem>>
    %dma_wait3A_597 = arith.constant 0 : i32
    %dma_wait3A_598 = arith.constant 0 : i32
    %dma_wait3A_599 = tpu.memref_slice %arg3[%add3A_31, %dma_wait3A_597, %dma_wait3A_598] : memref<1024x512x64xf32, #tpu.memory_space<hbm>> -> memref<1x512x64xf32, #tpu.memory_space<hbm>>
    %dma_wait3A_600 = tpu.memref_squeeze %dma_wait3A_599 : memref<1x512x64xf32, #tpu.memory_space<hbm>> -> memref<512x64xf32, #tpu.memory_space<hbm>>
    %dma_wait3A_601 = arith.constant 0 : i32
    %dma_wait3A_602 = arith.constant 0 : i32
    %dma_wait3A_603 = tpu.memref_slice %arg3[%add3A_31, %dma_wait3A_601, %dma_wait3A_602] : memref<1024x512x64xf32, #tpu.memory_space<hbm>> -> memref<1x512x64xf32, #tpu.memory_space<hbm>>
    %dma_wait3A_604 = tpu.memref_squeeze %dma_wait3A_603 : memref<1x512x64xf32, #tpu.memory_space<hbm>> -> memref<512x64xf32, #tpu.memory_space<hbm>>
    %dma_wait3A_605 = arith.constant 0 : i32
    %dma_wait3A_606 = tpu.memref_slice %arg4[%sub3A_29, %dma_wait3A_605] : memref<1024x64xf32, #tpu.memory_space<vmem>> -> memref<512x64xf32, #tpu.memory_space<vmem>>
    tpu.wait_dma2 semaphore(%arg5 : memref<!tpu.dma_semaphore, #tpu.memory_space<semaphore_mem>>) src(%dma_wait3A_606 : memref<512x64xf32, #tpu.memory_space<vmem>>) dst(%dma_wait3A_604 : memref<512x64xf32, #tpu.memory_space<hbm>>)
    %dma_wait3A_607 = arith.constant 0 : i32
    %dma_wait3A_608 = tpu.memref_slice %arg4[%sub3A_47, %dma_wait3A_607] : memref<1024x64xf32, #tpu.memory_space<vmem>> -> memref<512x64xf32, #tpu.memory_space<vmem>>
    %dma_wait3A_609 = arith.constant 0 : i32
    %dma_wait3A_610 = arith.constant 0 : i32
    %dma_wait3A_611 = tpu.memref_slice %arg3[%add3A_49, %dma_wait3A_609, %dma_wait3A_610] : memref<1024x512x64xf32, #tpu.memory_space<hbm>> -> memref<1x512x64xf32, #tpu.memory_space<hbm>>
    %dma_wait3A_612 = tpu.memref_squeeze %dma_wait3A_611 : memref<1x512x64xf32, #tpu.memory_space<hbm>> -> memref<512x64xf32, #tpu.memory_space<hbm>>
    %dma_wait3A_613 = arith.constant 0 : i32
    %dma_wait3A_614 = arith.constant 0 : i32
    %dma_wait3A_615 = tpu.memref_slice %arg3[%add3A_49, %dma_wait3A_613, %dma_wait3A_614] : memref<1024x512x64xf32, #tpu.memory_space<hbm>> -> memref<1x512x64xf32, #tpu.memory_space<hbm>>
    %dma_wait3A_616 = tpu.memref_squeeze %dma_wait3A_615 : memref<1x512x64xf32, #tpu.memory_space<hbm>> -> memref<512x64xf32, #tpu.memory_space<hbm>>
    %dma_wait3A_617 = arith.constant 0 : i32
    %dma_wait3A_618 = tpu.memref_slice %arg4[%sub3A_47, %dma_wait3A_617] : memref<1024x64xf32, #tpu.memory_space<vmem>> -> memref<512x64xf32, #tpu.memory_space<vmem>>
    tpu.wait_dma2 semaphore(%arg5 : memref<!tpu.dma_semaphore, #tpu.memory_space<semaphore_mem>>) src(%dma_wait3A_618 : memref<512x64xf32, #tpu.memory_space<vmem>>) dst(%dma_wait3A_616 : memref<512x64xf32, #tpu.memory_space<hbm>>)
    %dma_wait3A_619 = arith.constant 0 : i32
    %dma_wait3A_620 = tpu.memref_slice %arg4[%sub3A_65, %dma_wait3A_619] : memref<1024x64xf32, #tpu.memory_space<vmem>> -> memref<512x64xf32, #tpu.memory_space<vmem>>
    %dma_wait3A_621 = arith.constant 0 : i32
    %dma_wait3A_622 = arith.constant 0 : i32
    %dma_wait3A_623 = tpu.memref_slice %arg3[%add3A_67, %dma_wait3A_621, %dma_wait3A_622] : memref<1024x512x64xf32, #tpu.memory_space<hbm>> -> memref<1x512x64xf32, #tpu.memory_space<hbm>>
    %dma_wait3A_624 = tpu.memref_squeeze %dma_wait3A_623 : memref<1x512x64xf32, #tpu.memory_space<hbm>> -> memref<512x64xf32, #tpu.memory_space<hbm>>
    %dma_wait3A_625 = arith.constant 0 : i32
    %dma_wait3A_626 = arith.constant 0 : i32
    %dma_wait3A_627 = tpu.memref_slice %arg3[%add3A_67, %dma_wait3A_625, %dma_wait3A_626] : memref<1024x512x64xf32, #tpu.memory_space<hbm>> -> memref<1x512x64xf32, #tpu.memory_space<hbm>>
    %dma_wait3A_628 = tpu.memref_squeeze %dma_wait3A_627 : memref<1x512x64xf32, #tpu.memory_space<hbm>> -> memref<512x64xf32, #tpu.memory_space<hbm>>
    %dma_wait3A_629 = arith.constant 0 : i32
    %dma_wait3A_630 = tpu.memref_slice %arg4[%sub3A_65, %dma_wait3A_629] : memref<1024x64xf32, #tpu.memory_space<vmem>> -> memref<512x64xf32, #tpu.memory_space<vmem>>
    tpu.wait_dma2 semaphore(%arg5 : memref<!tpu.dma_semaphore, #tpu.memory_space<semaphore_mem>>) src(%dma_wait3A_630 : memref<512x64xf32, #tpu.memory_space<vmem>>) dst(%dma_wait3A_628 : memref<512x64xf32, #tpu.memory_space<hbm>>)
    %dma_wait3A_631 = arith.constant 0 : i32
    %dma_wait3A_632 = tpu.memref_slice %arg4[%sub3A_83, %dma_wait3A_631] : memref<1024x64xf32, #tpu.memory_space<vmem>> -> memref<512x64xf32, #tpu.memory_space<vmem>>
    %dma_wait3A_633 = arith.constant 0 : i32
    %dma_wait3A_634 = arith.constant 0 : i32
    %dma_wait3A_635 = tpu.memref_slice %arg3[%add3A_85, %dma_wait3A_633, %dma_wait3A_634] : memref<1024x512x64xf32, #tpu.memory_space<hbm>> -> memref<1x512x64xf32, #tpu.memory_space<hbm>>
    %dma_wait3A_636 = tpu.memref_squeeze %dma_wait3A_635 : memref<1x512x64xf32, #tpu.memory_space<hbm>> -> memref<512x64xf32, #tpu.memory_space<hbm>>
    %dma_wait3A_637 = arith.constant 0 : i32
    %dma_wait3A_638 = arith.constant 0 : i32
    %dma_wait3A_639 = tpu.memref_slice %arg3[%add3A_85, %dma_wait3A_637, %dma_wait3A_638] : memref<1024x512x64xf32, #tpu.memory_space<hbm>> -> memref<1x512x64xf32, #tpu.memory_space<hbm>>
    %dma_wait3A_640 = tpu.memref_squeeze %dma_wait3A_639 : memref<1x512x64xf32, #tpu.memory_space<hbm>> -> memref<512x64xf32, #tpu.memory_space<hbm>>
    %dma_wait3A_641 = arith.constant 0 : i32
    %dma_wait3A_642 = tpu.memref_slice %arg4[%sub3A_83, %dma_wait3A_641] : memref<1024x64xf32, #tpu.memory_space<vmem>> -> memref<512x64xf32, #tpu.memory_space<vmem>>
    tpu.wait_dma2 semaphore(%arg5 : memref<!tpu.dma_semaphore, #tpu.memory_space<semaphore_mem>>) src(%dma_wait3A_642 : memref<512x64xf32, #tpu.memory_space<vmem>>) dst(%dma_wait3A_640 : memref<512x64xf32, #tpu.memory_space<hbm>>)
    %dma_wait3A_643 = arith.constant 0 : i32
    %dma_wait3A_644 = tpu.memref_slice %arg4[%sub3A_101, %dma_wait3A_643] : memref<1024x64xf32, #tpu.memory_space<vmem>> -> memref<512x64xf32, #tpu.memory_space<vmem>>
    %dma_wait3A_645 = arith.constant 0 : i32
    %dma_wait3A_646 = arith.constant 0 : i32
    %dma_wait3A_647 = tpu.memref_slice %arg3[%add3A_103, %dma_wait3A_645, %dma_wait3A_646] : memref<1024x512x64xf32, #tpu.memory_space<hbm>> -> memref<1x512x64xf32, #tpu.memory_space<hbm>>
    %dma_wait3A_648 = tpu.memref_squeeze %dma_wait3A_647 : memref<1x512x64xf32, #tpu.memory_space<hbm>> -> memref<512x64xf32, #tpu.memory_space<hbm>>
    %dma_wait3A_649 = arith.constant 0 : i32
    %dma_wait3A_650 = arith.constant 0 : i32
    %dma_wait3A_651 = tpu.memref_slice %arg3[%add3A_103, %dma_wait3A_649, %dma_wait3A_650] : memref<1024x512x64xf32, #tpu.memory_space<hbm>> -> memref<1x512x64xf32, #tpu.memory_space<hbm>>
    %dma_wait3A_652 = tpu.memref_squeeze %dma_wait3A_651 : memref<1x512x64xf32, #tpu.memory_space<hbm>> -> memref<512x64xf32, #tpu.memory_space<hbm>>
    %dma_wait3A_653 = arith.constant 0 : i32
    %dma_wait3A_654 = tpu.memref_slice %arg4[%sub3A_101, %dma_wait3A_653] : memref<1024x64xf32, #tpu.memory_space<vmem>> -> memref<512x64xf32, #tpu.memory_space<vmem>>
    tpu.wait_dma2 semaphore(%arg5 : memref<!tpu.dma_semaphore, #tpu.memory_space<semaphore_mem>>) src(%dma_wait3A_654 : memref<512x64xf32, #tpu.memory_space<vmem>>) dst(%dma_wait3A_652 : memref<512x64xf32, #tpu.memory_space<hbm>>)
    %dma_wait3A_655 = arith.constant 0 : i32
    %dma_wait3A_656 = tpu.memref_slice %arg4[%sub3A_119, %dma_wait3A_655] : memref<1024x64xf32, #tpu.memory_space<vmem>> -> memref<512x64xf32, #tpu.memory_space<vmem>>
    %dma_wait3A_657 = arith.constant 0 : i32
    %dma_wait3A_658 = arith.constant 0 : i32
    %dma_wait3A_659 = tpu.memref_slice %arg3[%add3A_121, %dma_wait3A_657, %dma_wait3A_658] : memref<1024x512x64xf32, #tpu.memory_space<hbm>> -> memref<1x512x64xf32, #tpu.memory_space<hbm>>
    %dma_wait3A_660 = tpu.memref_squeeze %dma_wait3A_659 : memref<1x512x64xf32, #tpu.memory_space<hbm>> -> memref<512x64xf32, #tpu.memory_space<hbm>>
    %dma_wait3A_661 = arith.constant 0 : i32
    %dma_wait3A_662 = arith.constant 0 : i32
    %dma_wait3A_663 = tpu.memref_slice %arg3[%add3A_121, %dma_wait3A_661, %dma_wait3A_662] : memref<1024x512x64xf32, #tpu.memory_space<hbm>> -> memref<1x512x64xf32, #tpu.memory_space<hbm>>
    %dma_wait3A_664 = tpu.memref_squeeze %dma_wait3A_663 : memref<1x512x64xf32, #tpu.memory_space<hbm>> -> memref<512x64xf32, #tpu.memory_space<hbm>>
    %dma_wait3A_665 = arith.constant 0 : i32
    %dma_wait3A_666 = tpu.memref_slice %arg4[%sub3A_119, %dma_wait3A_665] : memref<1024x64xf32, #tpu.memory_space<vmem>> -> memref<512x64xf32, #tpu.memory_space<vmem>>
    tpu.wait_dma2 semaphore(%arg5 : memref<!tpu.dma_semaphore, #tpu.memory_space<semaphore_mem>>) src(%dma_wait3A_666 : memref<512x64xf32, #tpu.memory_space<vmem>>) dst(%dma_wait3A_664 : memref<512x64xf32, #tpu.memory_space<hbm>>)
    %dma_wait3A_667 = arith.constant 0 : i32
    %dma_wait3A_668 = tpu.memref_slice %arg4[%sub3A_137, %dma_wait3A_667] : memref<1024x64xf32, #tpu.memory_space<vmem>> -> memref<512x64xf32, #tpu.memory_space<vmem>>
    %dma_wait3A_669 = arith.constant 0 : i32
    %dma_wait3A_670 = arith.constant 0 : i32
    %dma_wait3A_671 = tpu.memref_slice %arg3[%add3A_139, %dma_wait3A_669, %dma_wait3A_670] : memref<1024x512x64xf32, #tpu.memory_space<hbm>> -> memref<1x512x64xf32, #tpu.memory_space<hbm>>
    %dma_wait3A_672 = tpu.memref_squeeze %dma_wait3A_671 : memref<1x512x64xf32, #tpu.memory_space<hbm>> -> memref<512x64xf32, #tpu.memory_space<hbm>>
    %dma_wait3A_673 = arith.constant 0 : i32
    %dma_wait3A_674 = arith.constant 0 : i32
    %dma_wait3A_675 = tpu.memref_slice %arg3[%add3A_139, %dma_wait3A_673, %dma_wait3A_674] : memref<1024x512x64xf32, #tpu.memory_space<hbm>> -> memref<1x512x64xf32, #tpu.memory_space<hbm>>
    %dma_wait3A_676 = tpu.memref_squeeze %dma_wait3A_675 : memref<1x512x64xf32, #tpu.memory_space<hbm>> -> memref<512x64xf32, #tpu.memory_space<hbm>>
    %dma_wait3A_677 = arith.constant 0 : i32
    %dma_wait3A_678 = tpu.memref_slice %arg4[%sub3A_137, %dma_wait3A_677] : memref<1024x64xf32, #tpu.memory_space<vmem>> -> memref<512x64xf32, #tpu.memory_space<vmem>>
    tpu.wait_dma2 semaphore(%arg5 : memref<!tpu.dma_semaphore, #tpu.memory_space<semaphore_mem>>) src(%dma_wait3A_678 : memref<512x64xf32, #tpu.memory_space<vmem>>) dst(%dma_wait3A_676 : memref<512x64xf32, #tpu.memory_space<hbm>>)
    %dma_wait3A_679 = arith.constant 0 : i32
    %dma_wait3A_680 = tpu.memref_slice %arg4[%sub3A_155, %dma_wait3A_679] : memref<1024x64xf32, #tpu.memory_space<vmem>> -> memref<512x64xf32, #tpu.memory_space<vmem>>
    %dma_wait3A_681 = arith.constant 0 : i32
    %dma_wait3A_682 = arith.constant 0 : i32
    %dma_wait3A_683 = tpu.memref_slice %arg3[%add3A_157, %dma_wait3A_681, %dma_wait3A_682] : memref<1024x512x64xf32, #tpu.memory_space<hbm>> -> memref<1x512x64xf32, #tpu.memory_space<hbm>>
    %dma_wait3A_684 = tpu.memref_squeeze %dma_wait3A_683 : memref<1x512x64xf32, #tpu.memory_space<hbm>> -> memref<512x64xf32, #tpu.memory_space<hbm>>
    %dma_wait3A_685 = arith.constant 0 : i32
    %dma_wait3A_686 = arith.constant 0 : i32
    %dma_wait3A_687 = tpu.memref_slice %arg3[%add3A_157, %dma_wait3A_685, %dma_wait3A_686] : memref<1024x512x64xf32, #tpu.memory_space<hbm>> -> memref<1x512x64xf32, #tpu.memory_space<hbm>>
    %dma_wait3A_688 = tpu.memref_squeeze %dma_wait3A_687 : memref<1x512x64xf32, #tpu.memory_space<hbm>> -> memref<512x64xf32, #tpu.memory_space<hbm>>
    %dma_wait3A_689 = arith.constant 0 : i32
    %dma_wait3A_690 = tpu.memref_slice %arg4[%sub3A_155, %dma_wait3A_689] : memref<1024x64xf32, #tpu.memory_space<vmem>> -> memref<512x64xf32, #tpu.memory_space<vmem>>
    tpu.wait_dma2 semaphore(%arg5 : memref<!tpu.dma_semaphore, #tpu.memory_space<semaphore_mem>>) src(%dma_wait3A_690 : memref<512x64xf32, #tpu.memory_space<vmem>>) dst(%dma_wait3A_688 : memref<512x64xf32, #tpu.memory_space<hbm>>)
    %dma_wait3A_691 = arith.constant 0 : i32
    %dma_wait3A_692 = tpu.memref_slice %arg4[%sub3A_173, %dma_wait3A_691] : memref<1024x64xf32, #tpu.memory_space<vmem>> -> memref<512x64xf32, #tpu.memory_space<vmem>>
    %dma_wait3A_693 = arith.constant 0 : i32
    %dma_wait3A_694 = arith.constant 0 : i32
    %dma_wait3A_695 = tpu.memref_slice %arg3[%add3A_175, %dma_wait3A_693, %dma_wait3A_694] : memref<1024x512x64xf32, #tpu.memory_space<hbm>> -> memref<1x512x64xf32, #tpu.memory_space<hbm>>
    %dma_wait3A_696 = tpu.memref_squeeze %dma_wait3A_695 : memref<1x512x64xf32, #tpu.memory_space<hbm>> -> memref<512x64xf32, #tpu.memory_space<hbm>>
    %dma_wait3A_697 = arith.constant 0 : i32
    %dma_wait3A_698 = arith.constant 0 : i32
    %dma_wait3A_699 = tpu.memref_slice %arg3[%add3A_175, %dma_wait3A_697, %dma_wait3A_698] : memref<1024x512x64xf32, #tpu.memory_space<hbm>> -> memref<1x512x64xf32, #tpu.memory_space<hbm>>
    %dma_wait3A_700 = tpu.memref_squeeze %dma_wait3A_699 : memref<1x512x64xf32, #tpu.memory_space<hbm>> -> memref<512x64xf32, #tpu.memory_space<hbm>>
    %dma_wait3A_701 = arith.constant 0 : i32
    %dma_wait3A_702 = tpu.memref_slice %arg4[%sub3A_173, %dma_wait3A_701] : memref<1024x64xf32, #tpu.memory_space<vmem>> -> memref<512x64xf32, #tpu.memory_space<vmem>>
    tpu.wait_dma2 semaphore(%arg5 : memref<!tpu.dma_semaphore, #tpu.memory_space<semaphore_mem>>) src(%dma_wait3A_702 : memref<512x64xf32, #tpu.memory_space<vmem>>) dst(%dma_wait3A_700 : memref<512x64xf32, #tpu.memory_space<hbm>>)
    %dma_wait3A_703 = arith.constant 0 : i32
    %dma_wait3A_704 = tpu.memref_slice %arg4[%sub3A_191, %dma_wait3A_703] : memref<1024x64xf32, #tpu.memory_space<vmem>> -> memref<512x64xf32, #tpu.memory_space<vmem>>
    %dma_wait3A_705 = arith.constant 0 : i32
    %dma_wait3A_706 = arith.constant 0 : i32
    %dma_wait3A_707 = tpu.memref_slice %arg3[%add3A_193, %dma_wait3A_705, %dma_wait3A_706] : memref<1024x512x64xf32, #tpu.memory_space<hbm>> -> memref<1x512x64xf32, #tpu.memory_space<hbm>>
    %dma_wait3A_708 = tpu.memref_squeeze %dma_wait3A_707 : memref<1x512x64xf32, #tpu.memory_space<hbm>> -> memref<512x64xf32, #tpu.memory_space<hbm>>
    %dma_wait3A_709 = arith.constant 0 : i32
    %dma_wait3A_710 = arith.constant 0 : i32
    %dma_wait3A_711 = tpu.memref_slice %arg3[%add3A_193, %dma_wait3A_709, %dma_wait3A_710] : memref<1024x512x64xf32, #tpu.memory_space<hbm>> -> memref<1x512x64xf32, #tpu.memory_space<hbm>>
    %dma_wait3A_712 = tpu.memref_squeeze %dma_wait3A_711 : memref<1x512x64xf32, #tpu.memory_space<hbm>> -> memref<512x64xf32, #tpu.memory_space<hbm>>
    %dma_wait3A_713 = arith.constant 0 : i32
    %dma_wait3A_714 = tpu.memref_slice %arg4[%sub3A_191, %dma_wait3A_713] : memref<1024x64xf32, #tpu.memory_space<vmem>> -> memref<512x64xf32, #tpu.memory_space<vmem>>
    tpu.wait_dma2 semaphore(%arg5 : memref<!tpu.dma_semaphore, #tpu.memory_space<semaphore_mem>>) src(%dma_wait3A_714 : memref<512x64xf32, #tpu.memory_space<vmem>>) dst(%dma_wait3A_712 : memref<512x64xf32, #tpu.memory_space<hbm>>)
    %dma_wait3A_715 = arith.constant 0 : i32
    %dma_wait3A_716 = tpu.memref_slice %arg4[%sub3A_209, %dma_wait3A_715] : memref<1024x64xf32, #tpu.memory_space<vmem>> -> memref<512x64xf32, #tpu.memory_space<vmem>>
    %dma_wait3A_717 = arith.constant 0 : i32
    %dma_wait3A_718 = arith.constant 0 : i32
    %dma_wait3A_719 = tpu.memref_slice %arg3[%add3A_211, %dma_wait3A_717, %dma_wait3A_718] : memref<1024x512x64xf32, #tpu.memory_space<hbm>> -> memref<1x512x64xf32, #tpu.memory_space<hbm>>
    %dma_wait3A_720 = tpu.memref_squeeze %dma_wait3A_719 : memref<1x512x64xf32, #tpu.memory_space<hbm>> -> memref<512x64xf32, #tpu.memory_space<hbm>>
    %dma_wait3A_721 = arith.constant 0 : i32
    %dma_wait3A_722 = arith.constant 0 : i32
    %dma_wait3A_723 = tpu.memref_slice %arg3[%add3A_211, %dma_wait3A_721, %dma_wait3A_722] : memref<1024x512x64xf32, #tpu.memory_space<hbm>> -> memref<1x512x64xf32, #tpu.memory_space<hbm>>
    %dma_wait3A_724 = tpu.memref_squeeze %dma_wait3A_723 : memref<1x512x64xf32, #tpu.memory_space<hbm>> -> memref<512x64xf32, #tpu.memory_space<hbm>>
    %dma_wait3A_725 = arith.constant 0 : i32
    %dma_wait3A_726 = tpu.memref_slice %arg4[%sub3A_209, %dma_wait3A_725] : memref<1024x64xf32, #tpu.memory_space<vmem>> -> memref<512x64xf32, #tpu.memory_space<vmem>>
    tpu.wait_dma2 semaphore(%arg5 : memref<!tpu.dma_semaphore, #tpu.memory_space<semaphore_mem>>) src(%dma_wait3A_726 : memref<512x64xf32, #tpu.memory_space<vmem>>) dst(%dma_wait3A_724 : memref<512x64xf32, #tpu.memory_space<hbm>>)
    %dma_wait3A_727 = arith.constant 0 : i32
    %dma_wait3A_728 = tpu.memref_slice %arg4[%sub3A_227, %dma_wait3A_727] : memref<1024x64xf32, #tpu.memory_space<vmem>> -> memref<512x64xf32, #tpu.memory_space<vmem>>
    %dma_wait3A_729 = arith.constant 0 : i32
    %dma_wait3A_730 = arith.constant 0 : i32
    %dma_wait3A_731 = tpu.memref_slice %arg3[%add3A_229, %dma_wait3A_729, %dma_wait3A_730] : memref<1024x512x64xf32, #tpu.memory_space<hbm>> -> memref<1x512x64xf32, #tpu.memory_space<hbm>>
    %dma_wait3A_732 = tpu.memref_squeeze %dma_wait3A_731 : memref<1x512x64xf32, #tpu.memory_space<hbm>> -> memref<512x64xf32, #tpu.memory_space<hbm>>
    %dma_wait3A_733 = arith.constant 0 : i32
    %dma_wait3A_734 = arith.constant 0 : i32
    %dma_wait3A_735 = tpu.memref_slice %arg3[%add3A_229, %dma_wait3A_733, %dma_wait3A_734] : memref<1024x512x64xf32, #tpu.memory_space<hbm>> -> memref<1x512x64xf32, #tpu.memory_space<hbm>>
    %dma_wait3A_736 = tpu.memref_squeeze %dma_wait3A_735 : memref<1x512x64xf32, #tpu.memory_space<hbm>> -> memref<512x64xf32, #tpu.memory_space<hbm>>
    %dma_wait3A_737 = arith.constant 0 : i32
    %dma_wait3A_738 = tpu.memref_slice %arg4[%sub3A_227, %dma_wait3A_737] : memref<1024x64xf32, #tpu.memory_space<vmem>> -> memref<512x64xf32, #tpu.memory_space<vmem>>
    tpu.wait_dma2 semaphore(%arg5 : memref<!tpu.dma_semaphore, #tpu.memory_space<semaphore_mem>>) src(%dma_wait3A_738 : memref<512x64xf32, #tpu.memory_space<vmem>>) dst(%dma_wait3A_736 : memref<512x64xf32, #tpu.memory_space<hbm>>)
    %dma_wait3A_739 = arith.constant 0 : i32
    %dma_wait3A_740 = tpu.memref_slice %arg4[%sub3A_245, %dma_wait3A_739] : memref<1024x64xf32, #tpu.memory_space<vmem>> -> memref<512x64xf32, #tpu.memory_space<vmem>>
    %dma_wait3A_741 = arith.constant 0 : i32
    %dma_wait3A_742 = arith.constant 0 : i32
    %dma_wait3A_743 = tpu.memref_slice %arg3[%add3A_247, %dma_wait3A_741, %dma_wait3A_742] : memref<1024x512x64xf32, #tpu.memory_space<hbm>> -> memref<1x512x64xf32, #tpu.memory_space<hbm>>
    %dma_wait3A_744 = tpu.memref_squeeze %dma_wait3A_743 : memref<1x512x64xf32, #tpu.memory_space<hbm>> -> memref<512x64xf32, #tpu.memory_space<hbm>>
    %dma_wait3A_745 = arith.constant 0 : i32
    %dma_wait3A_746 = arith.constant 0 : i32
    %dma_wait3A_747 = tpu.memref_slice %arg3[%add3A_247, %dma_wait3A_745, %dma_wait3A_746] : memref<1024x512x64xf32, #tpu.memory_space<hbm>> -> memref<1x512x64xf32, #tpu.memory_space<hbm>>
    %dma_wait3A_748 = tpu.memref_squeeze %dma_wait3A_747 : memref<1x512x64xf32, #tpu.memory_space<hbm>> -> memref<512x64xf32, #tpu.memory_space<hbm>>
    %dma_wait3A_749 = arith.constant 0 : i32
    %dma_wait3A_750 = tpu.memref_slice %arg4[%sub3A_245, %dma_wait3A_749] : memref<1024x64xf32, #tpu.memory_space<vmem>> -> memref<512x64xf32, #tpu.memory_space<vmem>>
    tpu.wait_dma2 semaphore(%arg5 : memref<!tpu.dma_semaphore, #tpu.memory_space<semaphore_mem>>) src(%dma_wait3A_750 : memref<512x64xf32, #tpu.memory_space<vmem>>) dst(%dma_wait3A_748 : memref<512x64xf32, #tpu.memory_space<hbm>>)
    %dma_wait3A_751 = arith.constant 0 : i32
    %dma_wait3A_752 = tpu.memref_slice %arg4[%sub3A_263, %dma_wait3A_751] : memref<1024x64xf32, #tpu.memory_space<vmem>> -> memref<512x64xf32, #tpu.memory_space<vmem>>
    %dma_wait3A_753 = arith.constant 0 : i32
    %dma_wait3A_754 = arith.constant 0 : i32
    %dma_wait3A_755 = tpu.memref_slice %arg3[%add3A_265, %dma_wait3A_753, %dma_wait3A_754] : memref<1024x512x64xf32, #tpu.memory_space<hbm>> -> memref<1x512x64xf32, #tpu.memory_space<hbm>>
    %dma_wait3A_756 = tpu.memref_squeeze %dma_wait3A_755 : memref<1x512x64xf32, #tpu.memory_space<hbm>> -> memref<512x64xf32, #tpu.memory_space<hbm>>
    %dma_wait3A_757 = arith.constant 0 : i32
    %dma_wait3A_758 = arith.constant 0 : i32
    %dma_wait3A_759 = tpu.memref_slice %arg3[%add3A_265, %dma_wait3A_757, %dma_wait3A_758] : memref<1024x512x64xf32, #tpu.memory_space<hbm>> -> memref<1x512x64xf32, #tpu.memory_space<hbm>>
    %dma_wait3A_760 = tpu.memref_squeeze %dma_wait3A_759 : memref<1x512x64xf32, #tpu.memory_space<hbm>> -> memref<512x64xf32, #tpu.memory_space<hbm>>
    %dma_wait3A_761 = arith.constant 0 : i32
    %dma_wait3A_762 = tpu.memref_slice %arg4[%sub3A_263, %dma_wait3A_761] : memref<1024x64xf32, #tpu.memory_space<vmem>> -> memref<512x64xf32, #tpu.memory_space<vmem>>
    tpu.wait_dma2 semaphore(%arg5 : memref<!tpu.dma_semaphore, #tpu.memory_space<semaphore_mem>>) src(%dma_wait3A_762 : memref<512x64xf32, #tpu.memory_space<vmem>>) dst(%dma_wait3A_760 : memref<512x64xf32, #tpu.memory_space<hbm>>)
    %dma_wait3A_763 = arith.constant 0 : i32
    %dma_wait3A_764 = tpu.memref_slice %arg4[%sub3A_281, %dma_wait3A_763] : memref<1024x64xf32, #tpu.memory_space<vmem>> -> memref<512x64xf32, #tpu.memory_space<vmem>>
    %dma_wait3A_765 = arith.constant 0 : i32
    %dma_wait3A_766 = arith.constant 0 : i32
    %dma_wait3A_767 = tpu.memref_slice %arg3[%add3A_283, %dma_wait3A_765, %dma_wait3A_766] : memref<1024x512x64xf32, #tpu.memory_space<hbm>> -> memref<1x512x64xf32, #tpu.memory_space<hbm>>
    %dma_wait3A_768 = tpu.memref_squeeze %dma_wait3A_767 : memref<1x512x64xf32, #tpu.memory_space<hbm>> -> memref<512x64xf32, #tpu.memory_space<hbm>>
    %dma_wait3A_769 = arith.constant 0 : i32
    %dma_wait3A_770 = arith.constant 0 : i32
    %dma_wait3A_771 = tpu.memref_slice %arg3[%add3A_283, %dma_wait3A_769, %dma_wait3A_770] : memref<1024x512x64xf32, #tpu.memory_space<hbm>> -> memref<1x512x64xf32, #tpu.memory_space<hbm>>
    %dma_wait3A_772 = tpu.memref_squeeze %dma_wait3A_771 : memref<1x512x64xf32, #tpu.memory_space<hbm>> -> memref<512x64xf32, #tpu.memory_space<hbm>>
    %dma_wait3A_773 = arith.constant 0 : i32
    %dma_wait3A_774 = tpu.memref_slice %arg4[%sub3A_281, %dma_wait3A_773] : memref<1024x64xf32, #tpu.memory_space<vmem>> -> memref<512x64xf32, #tpu.memory_space<vmem>>
    tpu.wait_dma2 semaphore(%arg5 : memref<!tpu.dma_semaphore, #tpu.memory_space<semaphore_mem>>) src(%dma_wait3A_774 : memref<512x64xf32, #tpu.memory_space<vmem>>) dst(%dma_wait3A_772 : memref<512x64xf32, #tpu.memory_space<hbm>>)
    %dma_wait3A_775 = arith.constant 0 : i32
    %dma_wait3A_776 = tpu.memref_slice %arg4[%sub3A_299, %dma_wait3A_775] : memref<1024x64xf32, #tpu.memory_space<vmem>> -> memref<512x64xf32, #tpu.memory_space<vmem>>
    %dma_wait3A_777 = arith.constant 0 : i32
    %dma_wait3A_778 = arith.constant 0 : i32
    %dma_wait3A_779 = tpu.memref_slice %arg3[%add3A_301, %dma_wait3A_777, %dma_wait3A_778] : memref<1024x512x64xf32, #tpu.memory_space<hbm>> -> memref<1x512x64xf32, #tpu.memory_space<hbm>>
    %dma_wait3A_780 = tpu.memref_squeeze %dma_wait3A_779 : memref<1x512x64xf32, #tpu.memory_space<hbm>> -> memref<512x64xf32, #tpu.memory_space<hbm>>
    %dma_wait3A_781 = arith.constant 0 : i32
    %dma_wait3A_782 = arith.constant 0 : i32
    %dma_wait3A_783 = tpu.memref_slice %arg3[%add3A_301, %dma_wait3A_781, %dma_wait3A_782] : memref<1024x512x64xf32, #tpu.memory_space<hbm>> -> memref<1x512x64xf32, #tpu.memory_space<hbm>>
    %dma_wait3A_784 = tpu.memref_squeeze %dma_wait3A_783 : memref<1x512x64xf32, #tpu.memory_space<hbm>> -> memref<512x64xf32, #tpu.memory_space<hbm>>
    %dma_wait3A_785 = arith.constant 0 : i32
    %dma_wait3A_786 = tpu.memref_slice %arg4[%sub3A_299, %dma_wait3A_785] : memref<1024x64xf32, #tpu.memory_space<vmem>> -> memref<512x64xf32, #tpu.memory_space<vmem>>
    tpu.wait_dma2 semaphore(%arg5 : memref<!tpu.dma_semaphore, #tpu.memory_space<semaphore_mem>>) src(%dma_wait3A_786 : memref<512x64xf32, #tpu.memory_space<vmem>>) dst(%dma_wait3A_784 : memref<512x64xf32, #tpu.memory_space<hbm>>)
    %dma_wait3A_787 = arith.constant 0 : i32
    %dma_wait3A_788 = tpu.memref_slice %arg4[%sub3A_317, %dma_wait3A_787] : memref<1024x64xf32, #tpu.memory_space<vmem>> -> memref<512x64xf32, #tpu.memory_space<vmem>>
    %dma_wait3A_789 = arith.constant 0 : i32
    %dma_wait3A_790 = arith.constant 0 : i32
    %dma_wait3A_791 = tpu.memref_slice %arg3[%add3A_319, %dma_wait3A_789, %dma_wait3A_790] : memref<1024x512x64xf32, #tpu.memory_space<hbm>> -> memref<1x512x64xf32, #tpu.memory_space<hbm>>
    %dma_wait3A_792 = tpu.memref_squeeze %dma_wait3A_791 : memref<1x512x64xf32, #tpu.memory_space<hbm>> -> memref<512x64xf32, #tpu.memory_space<hbm>>
    %dma_wait3A_793 = arith.constant 0 : i32
    %dma_wait3A_794 = arith.constant 0 : i32
    %dma_wait3A_795 = tpu.memref_slice %arg3[%add3A_319, %dma_wait3A_793, %dma_wait3A_794] : memref<1024x512x64xf32, #tpu.memory_space<hbm>> -> memref<1x512x64xf32, #tpu.memory_space<hbm>>
    %dma_wait3A_796 = tpu.memref_squeeze %dma_wait3A_795 : memref<1x512x64xf32, #tpu.memory_space<hbm>> -> memref<512x64xf32, #tpu.memory_space<hbm>>
    %dma_wait3A_797 = arith.constant 0 : i32
    %dma_wait3A_798 = tpu.memref_slice %arg4[%sub3A_317, %dma_wait3A_797] : memref<1024x64xf32, #tpu.memory_space<vmem>> -> memref<512x64xf32, #tpu.memory_space<vmem>>
    tpu.wait_dma2 semaphore(%arg5 : memref<!tpu.dma_semaphore, #tpu.memory_space<semaphore_mem>>) src(%dma_wait3A_798 : memref<512x64xf32, #tpu.memory_space<vmem>>) dst(%dma_wait3A_796 : memref<512x64xf32, #tpu.memory_space<hbm>>)
    %dma_wait3A_799 = arith.constant 0 : i32
    %dma_wait3A_800 = tpu.memref_slice %arg4[%sub3A_335, %dma_wait3A_799] : memref<1024x64xf32, #tpu.memory_space<vmem>> -> memref<512x64xf32, #tpu.memory_space<vmem>>
    %dma_wait3A_801 = arith.constant 0 : i32
    %dma_wait3A_802 = arith.constant 0 : i32
    %dma_wait3A_803 = tpu.memref_slice %arg3[%add3A_337, %dma_wait3A_801, %dma_wait3A_802] : memref<1024x512x64xf32, #tpu.memory_space<hbm>> -> memref<1x512x64xf32, #tpu.memory_space<hbm>>
    %dma_wait3A_804 = tpu.memref_squeeze %dma_wait3A_803 : memref<1x512x64xf32, #tpu.memory_space<hbm>> -> memref<512x64xf32, #tpu.memory_space<hbm>>
    %dma_wait3A_805 = arith.constant 0 : i32
    %dma_wait3A_806 = arith.constant 0 : i32
    %dma_wait3A_807 = tpu.memref_slice %arg3[%add3A_337, %dma_wait3A_805, %dma_wait3A_806] : memref<1024x512x64xf32, #tpu.memory_space<hbm>> -> memref<1x512x64xf32, #tpu.memory_space<hbm>>
    %dma_wait3A_808 = tpu.memref_squeeze %dma_wait3A_807 : memref<1x512x64xf32, #tpu.memory_space<hbm>> -> memref<512x64xf32, #tpu.memory_space<hbm>>
    %dma_wait3A_809 = arith.constant 0 : i32
    %dma_wait3A_810 = tpu.memref_slice %arg4[%sub3A_335, %dma_wait3A_809] : memref<1024x64xf32, #tpu.memory_space<vmem>> -> memref<512x64xf32, #tpu.memory_space<vmem>>
    tpu.wait_dma2 semaphore(%arg5 : memref<!tpu.dma_semaphore, #tpu.memory_space<semaphore_mem>>) src(%dma_wait3A_810 : memref<512x64xf32, #tpu.memory_space<vmem>>) dst(%dma_wait3A_808 : memref<512x64xf32, #tpu.memory_space<hbm>>)
    %dma_wait3A_811 = arith.constant 0 : i32
    %dma_wait3A_812 = tpu.memref_slice %arg4[%sub3A_353, %dma_wait3A_811] : memref<1024x64xf32, #tpu.memory_space<vmem>> -> memref<512x64xf32, #tpu.memory_space<vmem>>
    %dma_wait3A_813 = arith.constant 0 : i32
    %dma_wait3A_814 = arith.constant 0 : i32
    %dma_wait3A_815 = tpu.memref_slice %arg3[%add3A_355, %dma_wait3A_813, %dma_wait3A_814] : memref<1024x512x64xf32, #tpu.memory_space<hbm>> -> memref<1x512x64xf32, #tpu.memory_space<hbm>>
    %dma_wait3A_816 = tpu.memref_squeeze %dma_wait3A_815 : memref<1x512x64xf32, #tpu.memory_space<hbm>> -> memref<512x64xf32, #tpu.memory_space<hbm>>
    %dma_wait3A_817 = arith.constant 0 : i32
    %dma_wait3A_818 = arith.constant 0 : i32
    %dma_wait3A_819 = tpu.memref_slice %arg3[%add3A_355, %dma_wait3A_817, %dma_wait3A_818] : memref<1024x512x64xf32, #tpu.memory_space<hbm>> -> memref<1x512x64xf32, #tpu.memory_space<hbm>>
    %dma_wait3A_820 = tpu.memref_squeeze %dma_wait3A_819 : memref<1x512x64xf32, #tpu.memory_space<hbm>> -> memref<512x64xf32, #tpu.memory_space<hbm>>
    %dma_wait3A_821 = arith.constant 0 : i32
    %dma_wait3A_822 = tpu.memref_slice %arg4[%sub3A_353, %dma_wait3A_821] : memref<1024x64xf32, #tpu.memory_space<vmem>> -> memref<512x64xf32, #tpu.memory_space<vmem>>
    tpu.wait_dma2 semaphore(%arg5 : memref<!tpu.dma_semaphore, #tpu.memory_space<semaphore_mem>>) src(%dma_wait3A_822 : memref<512x64xf32, #tpu.memory_space<vmem>>) dst(%dma_wait3A_820 : memref<512x64xf32, #tpu.memory_space<hbm>>)
    %dma_wait3A_823 = arith.constant 0 : i32
    %dma_wait3A_824 = tpu.memref_slice %arg4[%sub3A_371, %dma_wait3A_823] : memref<1024x64xf32, #tpu.memory_space<vmem>> -> memref<512x64xf32, #tpu.memory_space<vmem>>
    %dma_wait3A_825 = arith.constant 0 : i32
    %dma_wait3A_826 = arith.constant 0 : i32
    %dma_wait3A_827 = tpu.memref_slice %arg3[%add3A_373, %dma_wait3A_825, %dma_wait3A_826] : memref<1024x512x64xf32, #tpu.memory_space<hbm>> -> memref<1x512x64xf32, #tpu.memory_space<hbm>>
    %dma_wait3A_828 = tpu.memref_squeeze %dma_wait3A_827 : memref<1x512x64xf32, #tpu.memory_space<hbm>> -> memref<512x64xf32, #tpu.memory_space<hbm>>
    %dma_wait3A_829 = arith.constant 0 : i32
    %dma_wait3A_830 = arith.constant 0 : i32
    %dma_wait3A_831 = tpu.memref_slice %arg3[%add3A_373, %dma_wait3A_829, %dma_wait3A_830] : memref<1024x512x64xf32, #tpu.memory_space<hbm>> -> memref<1x512x64xf32, #tpu.memory_space<hbm>>
    %dma_wait3A_832 = tpu.memref_squeeze %dma_wait3A_831 : memref<1x512x64xf32, #tpu.memory_space<hbm>> -> memref<512x64xf32, #tpu.memory_space<hbm>>
    %dma_wait3A_833 = arith.constant 0 : i32
    %dma_wait3A_834 = tpu.memref_slice %arg4[%sub3A_371, %dma_wait3A_833] : memref<1024x64xf32, #tpu.memory_space<vmem>> -> memref<512x64xf32, #tpu.memory_space<vmem>>
    tpu.wait_dma2 semaphore(%arg5 : memref<!tpu.dma_semaphore, #tpu.memory_space<semaphore_mem>>) src(%dma_wait3A_834 : memref<512x64xf32, #tpu.memory_space<vmem>>) dst(%dma_wait3A_832 : memref<512x64xf32, #tpu.memory_space<hbm>>)
    %dma_wait3A_835 = arith.constant 0 : i32
    %dma_wait3A_836 = tpu.memref_slice %arg4[%sub3A_389, %dma_wait3A_835] : memref<1024x64xf32, #tpu.memory_space<vmem>> -> memref<512x64xf32, #tpu.memory_space<vmem>>
    %dma_wait3A_837 = arith.constant 0 : i32
    %dma_wait3A_838 = arith.constant 0 : i32
    %dma_wait3A_839 = tpu.memref_slice %arg3[%add3A_391, %dma_wait3A_837, %dma_wait3A_838] : memref<1024x512x64xf32, #tpu.memory_space<hbm>> -> memref<1x512x64xf32, #tpu.memory_space<hbm>>
    %dma_wait3A_840 = tpu.memref_squeeze %dma_wait3A_839 : memref<1x512x64xf32, #tpu.memory_space<hbm>> -> memref<512x64xf32, #tpu.memory_space<hbm>>
    %dma_wait3A_841 = arith.constant 0 : i32
    %dma_wait3A_842 = arith.constant 0 : i32
    %dma_wait3A_843 = tpu.memref_slice %arg3[%add3A_391, %dma_wait3A_841, %dma_wait3A_842] : memref<1024x512x64xf32, #tpu.memory_space<hbm>> -> memref<1x512x64xf32, #tpu.memory_space<hbm>>
    %dma_wait3A_844 = tpu.memref_squeeze %dma_wait3A_843 : memref<1x512x64xf32, #tpu.memory_space<hbm>> -> memref<512x64xf32, #tpu.memory_space<hbm>>
    %dma_wait3A_845 = arith.constant 0 : i32
    %dma_wait3A_846 = tpu.memref_slice %arg4[%sub3A_389, %dma_wait3A_845] : memref<1024x64xf32, #tpu.memory_space<vmem>> -> memref<512x64xf32, #tpu.memory_space<vmem>>
    tpu.wait_dma2 semaphore(%arg5 : memref<!tpu.dma_semaphore, #tpu.memory_space<semaphore_mem>>) src(%dma_wait3A_846 : memref<512x64xf32, #tpu.memory_space<vmem>>) dst(%dma_wait3A_844 : memref<512x64xf32, #tpu.memory_space<hbm>>)
    %dma_wait3A_847 = arith.constant 0 : i32
    %dma_wait3A_848 = tpu.memref_slice %arg4[%sub3A_407, %dma_wait3A_847] : memref<1024x64xf32, #tpu.memory_space<vmem>> -> memref<512x64xf32, #tpu.memory_space<vmem>>
    %dma_wait3A_849 = arith.constant 0 : i32
    %dma_wait3A_850 = arith.constant 0 : i32
    %dma_wait3A_851 = tpu.memref_slice %arg3[%add3A_409, %dma_wait3A_849, %dma_wait3A_850] : memref<1024x512x64xf32, #tpu.memory_space<hbm>> -> memref<1x512x64xf32, #tpu.memory_space<hbm>>
    %dma_wait3A_852 = tpu.memref_squeeze %dma_wait3A_851 : memref<1x512x64xf32, #tpu.memory_space<hbm>> -> memref<512x64xf32, #tpu.memory_space<hbm>>
    %dma_wait3A_853 = arith.constant 0 : i32
    %dma_wait3A_854 = arith.constant 0 : i32
    %dma_wait3A_855 = tpu.memref_slice %arg3[%add3A_409, %dma_wait3A_853, %dma_wait3A_854] : memref<1024x512x64xf32, #tpu.memory_space<hbm>> -> memref<1x512x64xf32, #tpu.memory_space<hbm>>
    %dma_wait3A_856 = tpu.memref_squeeze %dma_wait3A_855 : memref<1x512x64xf32, #tpu.memory_space<hbm>> -> memref<512x64xf32, #tpu.memory_space<hbm>>
    %dma_wait3A_857 = arith.constant 0 : i32
    %dma_wait3A_858 = tpu.memref_slice %arg4[%sub3A_407, %dma_wait3A_857] : memref<1024x64xf32, #tpu.memory_space<vmem>> -> memref<512x64xf32, #tpu.memory_space<vmem>>
    tpu.wait_dma2 semaphore(%arg5 : memref<!tpu.dma_semaphore, #tpu.memory_space<semaphore_mem>>) src(%dma_wait3A_858 : memref<512x64xf32, #tpu.memory_space<vmem>>) dst(%dma_wait3A_856 : memref<512x64xf32, #tpu.memory_space<hbm>>)
    %dma_wait3A_859 = arith.constant 0 : i32
    %dma_wait3A_860 = tpu.memref_slice %arg4[%sub3A_425, %dma_wait3A_859] : memref<1024x64xf32, #tpu.memory_space<vmem>> -> memref<512x64xf32, #tpu.memory_space<vmem>>
    %dma_wait3A_861 = arith.constant 0 : i32
    %dma_wait3A_862 = arith.constant 0 : i32
    %dma_wait3A_863 = tpu.memref_slice %arg3[%add3A_427, %dma_wait3A_861, %dma_wait3A_862] : memref<1024x512x64xf32, #tpu.memory_space<hbm>> -> memref<1x512x64xf32, #tpu.memory_space<hbm>>
    %dma_wait3A_864 = tpu.memref_squeeze %dma_wait3A_863 : memref<1x512x64xf32, #tpu.memory_space<hbm>> -> memref<512x64xf32, #tpu.memory_space<hbm>>
    %dma_wait3A_865 = arith.constant 0 : i32
    %dma_wait3A_866 = arith.constant 0 : i32
    %dma_wait3A_867 = tpu.memref_slice %arg3[%add3A_427, %dma_wait3A_865, %dma_wait3A_866] : memref<1024x512x64xf32, #tpu.memory_space<hbm>> -> memref<1x512x64xf32, #tpu.memory_space<hbm>>
    %dma_wait3A_868 = tpu.memref_squeeze %dma_wait3A_867 : memref<1x512x64xf32, #tpu.memory_space<hbm>> -> memref<512x64xf32, #tpu.memory_space<hbm>>
    %dma_wait3A_869 = arith.constant 0 : i32
    %dma_wait3A_870 = tpu.memref_slice %arg4[%sub3A_425, %dma_wait3A_869] : memref<1024x64xf32, #tpu.memory_space<vmem>> -> memref<512x64xf32, #tpu.memory_space<vmem>>
    tpu.wait_dma2 semaphore(%arg5 : memref<!tpu.dma_semaphore, #tpu.memory_space<semaphore_mem>>) src(%dma_wait3A_870 : memref<512x64xf32, #tpu.memory_space<vmem>>) dst(%dma_wait3A_868 : memref<512x64xf32, #tpu.memory_space<hbm>>)
    %dma_wait3A_871 = arith.constant 0 : i32
    %dma_wait3A_872 = tpu.memref_slice %arg4[%sub3A_443, %dma_wait3A_871] : memref<1024x64xf32, #tpu.memory_space<vmem>> -> memref<512x64xf32, #tpu.memory_space<vmem>>
    %dma_wait3A_873 = arith.constant 0 : i32
    %dma_wait3A_874 = arith.constant 0 : i32
    %dma_wait3A_875 = tpu.memref_slice %arg3[%add3A_445, %dma_wait3A_873, %dma_wait3A_874] : memref<1024x512x64xf32, #tpu.memory_space<hbm>> -> memref<1x512x64xf32, #tpu.memory_space<hbm>>
    %dma_wait3A_876 = tpu.memref_squeeze %dma_wait3A_875 : memref<1x512x64xf32, #tpu.memory_space<hbm>> -> memref<512x64xf32, #tpu.memory_space<hbm>>
    %dma_wait3A_877 = arith.constant 0 : i32
    %dma_wait3A_878 = arith.constant 0 : i32
    %dma_wait3A_879 = tpu.memref_slice %arg3[%add3A_445, %dma_wait3A_877, %dma_wait3A_878] : memref<1024x512x64xf32, #tpu.memory_space<hbm>> -> memref<1x512x64xf32, #tpu.memory_space<hbm>>
    %dma_wait3A_880 = tpu.memref_squeeze %dma_wait3A_879 : memref<1x512x64xf32, #tpu.memory_space<hbm>> -> memref<512x64xf32, #tpu.memory_space<hbm>>
    %dma_wait3A_881 = arith.constant 0 : i32
    %dma_wait3A_882 = tpu.memref_slice %arg4[%sub3A_443, %dma_wait3A_881] : memref<1024x64xf32, #tpu.memory_space<vmem>> -> memref<512x64xf32, #tpu.memory_space<vmem>>
    tpu.wait_dma2 semaphore(%arg5 : memref<!tpu.dma_semaphore, #tpu.memory_space<semaphore_mem>>) src(%dma_wait3A_882 : memref<512x64xf32, #tpu.memory_space<vmem>>) dst(%dma_wait3A_880 : memref<512x64xf32, #tpu.memory_space<hbm>>)
    %dma_wait3A_883 = arith.constant 0 : i32
    %dma_wait3A_884 = tpu.memref_slice %arg4[%sub3A_461, %dma_wait3A_883] : memref<1024x64xf32, #tpu.memory_space<vmem>> -> memref<512x64xf32, #tpu.memory_space<vmem>>
    %dma_wait3A_885 = arith.constant 0 : i32
    %dma_wait3A_886 = arith.constant 0 : i32
    %dma_wait3A_887 = tpu.memref_slice %arg3[%add3A_463, %dma_wait3A_885, %dma_wait3A_886] : memref<1024x512x64xf32, #tpu.memory_space<hbm>> -> memref<1x512x64xf32, #tpu.memory_space<hbm>>
    %dma_wait3A_888 = tpu.memref_squeeze %dma_wait3A_887 : memref<1x512x64xf32, #tpu.memory_space<hbm>> -> memref<512x64xf32, #tpu.memory_space<hbm>>
    %dma_wait3A_889 = arith.constant 0 : i32
    %dma_wait3A_890 = arith.constant 0 : i32
    %dma_wait3A_891 = tpu.memref_slice %arg3[%add3A_463, %dma_wait3A_889, %dma_wait3A_890] : memref<1024x512x64xf32, #tpu.memory_space<hbm>> -> memref<1x512x64xf32, #tpu.memory_space<hbm>>
    %dma_wait3A_892 = tpu.memref_squeeze %dma_wait3A_891 : memref<1x512x64xf32, #tpu.memory_space<hbm>> -> memref<512x64xf32, #tpu.memory_space<hbm>>
    %dma_wait3A_893 = arith.constant 0 : i32
    %dma_wait3A_894 = tpu.memref_slice %arg4[%sub3A_461, %dma_wait3A_893] : memref<1024x64xf32, #tpu.memory_space<vmem>> -> memref<512x64xf32, #tpu.memory_space<vmem>>
    tpu.wait_dma2 semaphore(%arg5 : memref<!tpu.dma_semaphore, #tpu.memory_space<semaphore_mem>>) src(%dma_wait3A_894 : memref<512x64xf32, #tpu.memory_space<vmem>>) dst(%dma_wait3A_892 : memref<512x64xf32, #tpu.memory_space<hbm>>)
    %dma_wait3A_895 = arith.constant 0 : i32
    %dma_wait3A_896 = tpu.memref_slice %arg4[%sub3A_479, %dma_wait3A_895] : memref<1024x64xf32, #tpu.memory_space<vmem>> -> memref<512x64xf32, #tpu.memory_space<vmem>>
    %dma_wait3A_897 = arith.constant 0 : i32
    %dma_wait3A_898 = arith.constant 0 : i32
    %dma_wait3A_899 = tpu.memref_slice %arg3[%add3A_481, %dma_wait3A_897, %dma_wait3A_898] : memref<1024x512x64xf32, #tpu.memory_space<hbm>> -> memref<1x512x64xf32, #tpu.memory_space<hbm>>
    %dma_wait3A_900 = tpu.memref_squeeze %dma_wait3A_899 : memref<1x512x64xf32, #tpu.memory_space<hbm>> -> memref<512x64xf32, #tpu.memory_space<hbm>>
    %dma_wait3A_901 = arith.constant 0 : i32
    %dma_wait3A_902 = arith.constant 0 : i32
    %dma_wait3A_903 = tpu.memref_slice %arg3[%add3A_481, %dma_wait3A_901, %dma_wait3A_902] : memref<1024x512x64xf32, #tpu.memory_space<hbm>> -> memref<1x512x64xf32, #tpu.memory_space<hbm>>
    %dma_wait3A_904 = tpu.memref_squeeze %dma_wait3A_903 : memref<1x512x64xf32, #tpu.memory_space<hbm>> -> memref<512x64xf32, #tpu.memory_space<hbm>>
    %dma_wait3A_905 = arith.constant 0 : i32
    %dma_wait3A_906 = tpu.memref_slice %arg4[%sub3A_479, %dma_wait3A_905] : memref<1024x64xf32, #tpu.memory_space<vmem>> -> memref<512x64xf32, #tpu.memory_space<vmem>>
    tpu.wait_dma2 semaphore(%arg5 : memref<!tpu.dma_semaphore, #tpu.memory_space<semaphore_mem>>) src(%dma_wait3A_906 : memref<512x64xf32, #tpu.memory_space<vmem>>) dst(%dma_wait3A_904 : memref<512x64xf32, #tpu.memory_space<hbm>>)
    %dma_wait3A_907 = arith.constant 0 : i32
    %dma_wait3A_908 = tpu.memref_slice %arg4[%sub3A_497, %dma_wait3A_907] : memref<1024x64xf32, #tpu.memory_space<vmem>> -> memref<512x64xf32, #tpu.memory_space<vmem>>
    %dma_wait3A_909 = arith.constant 0 : i32
    %dma_wait3A_910 = arith.constant 0 : i32
    %dma_wait3A_911 = tpu.memref_slice %arg3[%add3A_499, %dma_wait3A_909, %dma_wait3A_910] : memref<1024x512x64xf32, #tpu.memory_space<hbm>> -> memref<1x512x64xf32, #tpu.memory_space<hbm>>
    %dma_wait3A_912 = tpu.memref_squeeze %dma_wait3A_911 : memref<1x512x64xf32, #tpu.memory_space<hbm>> -> memref<512x64xf32, #tpu.memory_space<hbm>>
    %dma_wait3A_913 = arith.constant 0 : i32
    %dma_wait3A_914 = arith.constant 0 : i32
    %dma_wait3A_915 = tpu.memref_slice %arg3[%add3A_499, %dma_wait3A_913, %dma_wait3A_914] : memref<1024x512x64xf32, #tpu.memory_space<hbm>> -> memref<1x512x64xf32, #tpu.memory_space<hbm>>
    %dma_wait3A_916 = tpu.memref_squeeze %dma_wait3A_915 : memref<1x512x64xf32, #tpu.memory_space<hbm>> -> memref<512x64xf32, #tpu.memory_space<hbm>>
    %dma_wait3A_917 = arith.constant 0 : i32
    %dma_wait3A_918 = tpu.memref_slice %arg4[%sub3A_497, %dma_wait3A_917] : memref<1024x64xf32, #tpu.memory_space<vmem>> -> memref<512x64xf32, #tpu.memory_space<vmem>>
    tpu.wait_dma2 semaphore(%arg5 : memref<!tpu.dma_semaphore, #tpu.memory_space<semaphore_mem>>) src(%dma_wait3A_918 : memref<512x64xf32, #tpu.memory_space<vmem>>) dst(%dma_wait3A_916 : memref<512x64xf32, #tpu.memory_space<hbm>>)
    %dma_wait3A_919 = arith.constant 0 : i32
    %dma_wait3A_920 = tpu.memref_slice %arg4[%sub3A_515, %dma_wait3A_919] : memref<1024x64xf32, #tpu.memory_space<vmem>> -> memref<512x64xf32, #tpu.memory_space<vmem>>
    %dma_wait3A_921 = arith.constant 0 : i32
    %dma_wait3A_922 = arith.constant 0 : i32
    %dma_wait3A_923 = tpu.memref_slice %arg3[%add3A_517, %dma_wait3A_921, %dma_wait3A_922] : memref<1024x512x64xf32, #tpu.memory_space<hbm>> -> memref<1x512x64xf32, #tpu.memory_space<hbm>>
    %dma_wait3A_924 = tpu.memref_squeeze %dma_wait3A_923 : memref<1x512x64xf32, #tpu.memory_space<hbm>> -> memref<512x64xf32, #tpu.memory_space<hbm>>
    %dma_wait3A_925 = arith.constant 0 : i32
    %dma_wait3A_926 = arith.constant 0 : i32
    %dma_wait3A_927 = tpu.memref_slice %arg3[%add3A_517, %dma_wait3A_925, %dma_wait3A_926] : memref<1024x512x64xf32, #tpu.memory_space<hbm>> -> memref<1x512x64xf32, #tpu.memory_space<hbm>>
    %dma_wait3A_928 = tpu.memref_squeeze %dma_wait3A_927 : memref<1x512x64xf32, #tpu.memory_space<hbm>> -> memref<512x64xf32, #tpu.memory_space<hbm>>
    %dma_wait3A_929 = arith.constant 0 : i32
    %dma_wait3A_930 = tpu.memref_slice %arg4[%sub3A_515, %dma_wait3A_929] : memref<1024x64xf32, #tpu.memory_space<vmem>> -> memref<512x64xf32, #tpu.memory_space<vmem>>
    tpu.wait_dma2 semaphore(%arg5 : memref<!tpu.dma_semaphore, #tpu.memory_space<semaphore_mem>>) src(%dma_wait3A_930 : memref<512x64xf32, #tpu.memory_space<vmem>>) dst(%dma_wait3A_928 : memref<512x64xf32, #tpu.memory_space<hbm>>)
    %dma_wait3A_931 = arith.constant 0 : i32
    %dma_wait3A_932 = tpu.memref_slice %arg4[%sub3A_533, %dma_wait3A_931] : memref<1024x64xf32, #tpu.memory_space<vmem>> -> memref<512x64xf32, #tpu.memory_space<vmem>>
    %dma_wait3A_933 = arith.constant 0 : i32
    %dma_wait3A_934 = arith.constant 0 : i32
    %dma_wait3A_935 = tpu.memref_slice %arg3[%add3A_535, %dma_wait3A_933, %dma_wait3A_934] : memref<1024x512x64xf32, #tpu.memory_space<hbm>> -> memref<1x512x64xf32, #tpu.memory_space<hbm>>
    %dma_wait3A_936 = tpu.memref_squeeze %dma_wait3A_935 : memref<1x512x64xf32, #tpu.memory_space<hbm>> -> memref<512x64xf32, #tpu.memory_space<hbm>>
    %dma_wait3A_937 = arith.constant 0 : i32
    %dma_wait3A_938 = arith.constant 0 : i32
    %dma_wait3A_939 = tpu.memref_slice %arg3[%add3A_535, %dma_wait3A_937, %dma_wait3A_938] : memref<1024x512x64xf32, #tpu.memory_space<hbm>> -> memref<1x512x64xf32, #tpu.memory_space<hbm>>
    %dma_wait3A_940 = tpu.memref_squeeze %dma_wait3A_939 : memref<1x512x64xf32, #tpu.memory_space<hbm>> -> memref<512x64xf32, #tpu.memory_space<hbm>>
    %dma_wait3A_941 = arith.constant 0 : i32
    %dma_wait3A_942 = tpu.memref_slice %arg4[%sub3A_533, %dma_wait3A_941] : memref<1024x64xf32, #tpu.memory_space<vmem>> -> memref<512x64xf32, #tpu.memory_space<vmem>>
    tpu.wait_dma2 semaphore(%arg5 : memref<!tpu.dma_semaphore, #tpu.memory_space<semaphore_mem>>) src(%dma_wait3A_942 : memref<512x64xf32, #tpu.memory_space<vmem>>) dst(%dma_wait3A_940 : memref<512x64xf32, #tpu.memory_space<hbm>>)
    %dma_wait3A_943 = arith.constant 0 : i32
    %dma_wait3A_944 = tpu.memref_slice %arg4[%sub3A_551, %dma_wait3A_943] : memref<1024x64xf32, #tpu.memory_space<vmem>> -> memref<512x64xf32, #tpu.memory_space<vmem>>
    %dma_wait3A_945 = arith.constant 0 : i32
    %dma_wait3A_946 = arith.constant 0 : i32
    %dma_wait3A_947 = tpu.memref_slice %arg3[%add3A_553, %dma_wait3A_945, %dma_wait3A_946] : memref<1024x512x64xf32, #tpu.memory_space<hbm>> -> memref<1x512x64xf32, #tpu.memory_space<hbm>>
    %dma_wait3A_948 = tpu.memref_squeeze %dma_wait3A_947 : memref<1x512x64xf32, #tpu.memory_space<hbm>> -> memref<512x64xf32, #tpu.memory_space<hbm>>
    %dma_wait3A_949 = arith.constant 0 : i32
    %dma_wait3A_950 = arith.constant 0 : i32
    %dma_wait3A_951 = tpu.memref_slice %arg3[%add3A_553, %dma_wait3A_949, %dma_wait3A_950] : memref<1024x512x64xf32, #tpu.memory_space<hbm>> -> memref<1x512x64xf32, #tpu.memory_space<hbm>>
    %dma_wait3A_952 = tpu.memref_squeeze %dma_wait3A_951 : memref<1x512x64xf32, #tpu.memory_space<hbm>> -> memref<512x64xf32, #tpu.memory_space<hbm>>
    %dma_wait3A_953 = arith.constant 0 : i32
    %dma_wait3A_954 = tpu.memref_slice %arg4[%sub3A_551, %dma_wait3A_953] : memref<1024x64xf32, #tpu.memory_space<vmem>> -> memref<512x64xf32, #tpu.memory_space<vmem>>
    tpu.wait_dma2 semaphore(%arg5 : memref<!tpu.dma_semaphore, #tpu.memory_space<semaphore_mem>>) src(%dma_wait3A_954 : memref<512x64xf32, #tpu.memory_space<vmem>>) dst(%dma_wait3A_952 : memref<512x64xf32, #tpu.memory_space<hbm>>)
    %dma_wait3A_955 = arith.constant 0 : i32
    %dma_wait3A_956 = tpu.memref_slice %arg4[%sub3A_569, %dma_wait3A_955] : memref<1024x64xf32, #tpu.memory_space<vmem>> -> memref<512x64xf32, #tpu.memory_space<vmem>>
    %dma_wait3A_957 = arith.constant 0 : i32
    %dma_wait3A_958 = arith.constant 0 : i32
    %dma_wait3A_959 = tpu.memref_slice %arg3[%add3A_571, %dma_wait3A_957, %dma_wait3A_958] : memref<1024x512x64xf32, #tpu.memory_space<hbm>> -> memref<1x512x64xf32, #tpu.memory_space<hbm>>
    %dma_wait3A_960 = tpu.memref_squeeze %dma_wait3A_959 : memref<1x512x64xf32, #tpu.memory_space<hbm>> -> memref<512x64xf32, #tpu.memory_space<hbm>>
    %dma_wait3A_961 = arith.constant 0 : i32
    %dma_wait3A_962 = arith.constant 0 : i32
    %dma_wait3A_963 = tpu.memref_slice %arg3[%add3A_571, %dma_wait3A_961, %dma_wait3A_962] : memref<1024x512x64xf32, #tpu.memory_space<hbm>> -> memref<1x512x64xf32, #tpu.memory_space<hbm>>
    %dma_wait3A_964 = tpu.memref_squeeze %dma_wait3A_963 : memref<1x512x64xf32, #tpu.memory_space<hbm>> -> memref<512x64xf32, #tpu.memory_space<hbm>>
    %dma_wait3A_965 = arith.constant 0 : i32
    %dma_wait3A_966 = tpu.memref_slice %arg4[%sub3A_569, %dma_wait3A_965] : memref<1024x64xf32, #tpu.memory_space<vmem>> -> memref<512x64xf32, #tpu.memory_space<vmem>>
    tpu.wait_dma2 semaphore(%arg5 : memref<!tpu.dma_semaphore, #tpu.memory_space<semaphore_mem>>) src(%dma_wait3A_966 : memref<512x64xf32, #tpu.memory_space<vmem>>) dst(%dma_wait3A_964 : memref<512x64xf32, #tpu.memory_space<hbm>>)
    return
  }
}

</mosaic_0001>

<sc_bundles>
// kernel: kernel.3.cloned.1.call-start
scs
__scs_entry_jumppad:
0x0: {  	(pc) =	sbr.rel $0x88, $3  }
0x1: {  	(tag) =	ssettag $0x0;
	lr =	simm.s32 $0x1  }
0x2: {  	[smem:$0x3F9E] =	sst lr;
	_ =	strace $0xD0000000  }
0x3: {  	_ = 	snop  }
0x4: {  	_ = 	snop  }
0x5: {  	_ = 	snop  }
0x6: {  	_ = 	snop  }
0x7: {  	_ = 	snop  }
__scs_overlays_trampoline_lowered:
0x8: {  	[smem:$0x3FAD] =	sst s0  }
0x9: {  	[smem:$0x3FAE] =	sst s1  }
0xa: {  	[smem:$0x3FAF] =	sst s2  }
0xb: {  	[smem:$0x3FB0] =	sst s3  }
0xc: {  	[smem:$0x3FB1] =	sst s4  }
0xd: {  	[smem:$0x3FB2] =	sst s5  }
0xe: {  	[smem:$0x3FB3] =	sst s6  }
0xf: {  	[smem:$0x3FB4] =	sst s7  }
0x10: {  	[smem:$0x3FB5] =	sst s8  }
0x11: {  	[smem:$0x3FB6] =	sst s9;
	s0 =	simm.s32 @!p0 $0x0  }
0x12: {  	s1 =	sld [smem:$0x3F9C];
	s0 =	simm.s32 @p0 $0x1  }
0x13: {  	[smem:$0x3FB7] =	sst s0;
	s0 =	simm.s32 @!p1 $0x0  }
0x14: {  	s2 =	sld [smem:$0x3F9B];
	s0 =	simm.s32 @p1 $0x1  }
0x15: {  	[smem:$0x3FB8] =	sst s0;
	s0 =	simm.s32 @!p2 $0x0  }
0x16: {  	s3 =	sld [smem:$0x3FDB];
	s0 =	simm.s32 @p2 $0x1  }
0x17: {  	s4 =	simm.s32 $0x1BF5;
	[smem:$0x3FBA] =	sst s0  }
0x18: {  	s0 =	sld [smem:$0x3F9D];
	_ =	swait.ge [sflag:s4], $0x0  }
0x19: {  	s7 =	sld [smem:$0x3F9E]  }
0x1a: {  	s8 =	sadd.s32 $0xFFFFE003, lr  }
0x1b: {  	s9 =	sadd.s32 $0xFFFFFEF7, lr;
	s5 =	simm.s32 $0xFFFFFFFF;
	p2 =	slt.u32 s8, $0xFFFFF086  }
0x1c: {  	p1 =	slt.u32 s9, $0xF7A;
	s5 =	simm.s32 @!p2 $0x0  }
0x1d: {  	s5 =	simm.s32 @p1 $0x1;
	p0 =	seq.s32 s7, s2  }
0x1e: {  	s7 =	smul.u32 @!p0 $0xF7A, s2;
	p2 =	seq.s32 @!p0 s5, $0x0  }
0x1f: {  	s9 =	smul.u32 $0xF7A, s1;
	s8 =	simm.s32 @!p0 $0x1BF5;
	p2 =	por !p2, p0  }
0x20: {  	[sflag:s8] =	ssyncset.s32 @!p0 $0xFFFFF086;
	s6 =	sadd.s32 @!p0 s3, s7;
	s7 =	simm.s32 @!p0 $0x108  }
0x21: {  	s3 =	sadd.s32 s3, s9;
	s6 =	sadd.s32 @!p0 $0x88, s6;
	s7 =	simm.s32 @p2 $0x1082  }
0x22: {  	[simem:s7], [sflag:s8] =	dma.local @!p0 [hbm:s6], $0xF7A  }
0x23: {  	s9 =	sor.u32 $0xD0000000, s2;
	s6 =	simm.s32 $0x108;
	_ =	swait.ge @!p0 [sflag:s8], $0x0  }
0x24: {  	s3 =	sadd.s32 $0x88, s3;
	s6 =	simm.s32 @!p1 $0x1082;
	[sflag:s4] =	ssyncset.s32 $0xFFFFF086  }
0x25: {  	[simem:s6], [sflag:s4] =	dma.local [hbm:s3], $0xF7A  }
0x26: {  	[smem:$0x3F9E] =	sst s1;
	(tag) =	ssettag s2;
	_ =	strace s9  }
0x27: {  	s1 =	sld [smem:$0x3FAE]  }
0x28: {  	s2 =	sld [smem:$0x3FAF]  }
0x29: {  	s4 =	sld [smem:$0x3FB1]  }
0x2a: {  	p0 =	seq.s32 s5, $0x0;
	s5 =	sld [smem:$0x3FB2]  }
0x2b: {  	s6 =	sld [smem:$0x3FB3]  }
0x2c: {  	s7 =	sld [smem:$0x3FB4]  }
0x2d: {  	s3 =	simm.s32 $0x108;
	s8 =	sld [smem:$0x3FB5]  }
0x2e: {  	s3 =	simm.s32 @!p0 $0x1082;
	s9 =	sld [smem:$0x3FB6]  }
0x2f: {  	lr =	sadd.s32 s0, s3;
	s0 =	sld [smem:$0x3FAD]  }
0x30: {  	s3 =	sld [smem:$0x3FB0]  }
0x31: {  	[smem:$0x3FB9] =	sst s10  }
0x32: {  	s10 =	sld [smem:$0x3FB7];
	_ =	sdelay $0x3  }
0x33: {  	p0 =	seq.s32 s10, $0x1;
	s10 =	sld [smem:$0x3FB9];
	_ =	sdelay $0x3  }
0x34: {  	[smem:$0x3FB9] =	sst s10  }
0x35: {  	s10 =	sld [smem:$0x3FB8];
	_ =	sdelay $0x3  }
0x36: {  	p1 =	seq.s32 s10, $0x1;
	s10 =	sld [smem:$0x3FB9];
	_ =	sdelay $0x3  }
0x37: {  	[smem:$0x3FB9] =	sst s10  }
0x38: {  	s10 =	sld [smem:$0x3FBA]  }
0x39: {  	_ = 	snop;
	(pc) =	sbr.ind lr, $3  }
0x3a: {  	_ = 	snop  }
0x3b: {  	_ = 	snop  }
0x3c: {  	p2 =	seq.s32 s10, $0x1;
	s10 =	sld [smem:$0x3FB9]  }
0x3d: {  	_ =	shalt  }
0x3e: {  	_ =	shalt  }
0x3f: {  	_ =	shalt  }
0x40: {  	_ =	shalt  }
0x41: {  	_ =	shalt  }
0x42: {  	_ =	shalt  }
0x43: {  	_ =	shalt  }
0x44: {  	_ =	shalt  }
0x45: {  	_ =	shalt  }
0x46: {  	_ =	shalt  }
0x47: {  	_ =	shalt  }
0x48: {  	_ =	shalt  }
0x49: {  	_ =	shalt  }
0x4a: {  	_ =	shalt  }
0x4b: {  	_ =	shalt  }
0x4c: {  	_ =	shalt  }
0x4d: {  	_ =	shalt  }
0x4e: {  	_ =	shalt  }
0x4f: {  	_ =	shalt  }
0x50: {  	_ =	shalt  }
0x51: {  	_ =	shalt  }
0x52: {  	_ =	shalt  }
0x53: {  	_ =	shalt  }
0x54: {  	_ =	shalt  }
0x55: {  	_ =	shalt  }
0x56: {  	_ =	shalt  }
0x57: {  	_ =	shalt  }
0x58: {  	_ =	shalt  }
0x59: {  	_ =	shalt  }
0x5a: {  	_ =	shalt  }
0x5b: {  	_ =	shalt  }
0x5c: {  	_ =	shalt  }
0x5d: {  	_ =	shalt  }
0x5e: {  	_ =	shalt  }
0x5f: {  	_ =	shalt  }
0x60: {  	_ =	shalt  }
0x61: {  	_ =	shalt  }
0x62: {  	_ =	shalt  }
0x63: {  	_ =	shalt  }
0x64: {  	_ =	shalt  }
0x65: {  	_ =	shalt  }
0x66: {  	_ =	shalt  }
0x67: {  	_ =	shalt  }
0x68: {  	_ =	shalt  }
0x69: {  	_ =	shalt  }
0x6a: {  	_ =	shalt  }
0x6b: {  	_ =	shalt  }
0x6c: {  	_ =	shalt  }
0x6d: {  	_ =	shalt  }
0x6e: {  	_ =	shalt  }
0x6f: {  	_ =	shalt  }
0x70: {  	_ =	shalt  }
0x71: {  	_ =	shalt  }
0x72: {  	_ =	shalt  }
0x73: {  	_ =	shalt  }
0x74: {  	_ =	shalt  }
0x75: {  	_ =	shalt  }
0x76: {  	_ =	shalt  }
0x77: {  	_ =	shalt  }
0x78: {  	_ =	shalt  }
0x79: {  	_ =	shalt  }
0x7a: {  	_ =	shalt  }
0x7b: {  	_ =	shalt  }
0x7c: {  	_ =	shalt  }
0x7d: {  	_ =	shalt  }
0x7e: {  	_ =	shalt  }
0x7f: {  	_ =	shalt  }
0x80: {  	_ =	shalt  }
0x81: {  	_ =	shalt  }
0x82: {  	_ =	shalt  }
0x83: {  	_ =	shalt  }
0x84: {  	_ =	shalt  }
0x85: {  	_ =	shalt  }
0x86: {  	_ =	shalt  }
0x87: {  	_ =	shalt  }
.Lfunc_end0:
.L_simem_size_0:
called_computation.1_lowered:
.L_overlay_start_0:
0x88: {  	s2 =	sld [smem:$0x3FD9]  }
0x89: {  	s3 =	sld [smem:$0x3FFE];
	_ =	sdelay $0x1  }
0x8a: {  	s1 =	srdreg.scid  }
0x8b: {  	s0 =	sand.u32 $0x1, s1  }
0x8c: {  	s17 =	sshll.u32 s0, $0xA;
	s2 =	sadd.s32 s3, s2  }
0x8d: {  	s2 =	sadd.s32 s2, s17  }
0x8e: {  	[smem:$0x3FC5] =	sst s2  }
0x8f: {  	_ = 	snop  }
0x90: {  	s2 =	sld [smem:$0x3FD0];
	(tm) =	ssettm $0x1  }
0x91: {  	s18 =	sld [smem:$0x3FFB];
	_ =	sdelay $0x3  }
0x92: {  	_ =	strace s18  }
0x93: {  	s3 =	sld [smem:$0x3FFC];
	_ =	sdelay $0x3  }
0x94: {  	_ =	strace s3  }
0x95: {  	s3 =	sld [smem:$0x3FFD];
	_ =	sdelay $0x3  }
0x96: {  	_ =	strace s3  }
0x97: {  	_ =	strace $0x8FFFFFFF  }
0x98: {  	s19 =	sld [smem:$0x3FDB];
	_ =	sdelay $0x1  }
0x99: {  	s4 =	simm.s32 $_scs_section_size  }
0x9a: {  	s5 =	simm.s32 $_size__tile_overlayer_lowered;
	s6 =	simm.s32 $_tile_overlayer_lowered  }
0x9b: {  	s22 =	simm.s32 $0x1BFF;
	s21 =	sshll.u32 s6, $0x1;
	s3 =	sadd.s32 s4, s19  }
0x9c: {  	s7 =	simm.s32 $0x0;
	s20 =	sshll.u32 s5, $0x1;
	s5 =	sadd.s32 s21, s3  }
0x9d: {  	[timem:s7], [sflag:s22] =	dma.local [hbm:s5], s20  }
0x9e: {  	_ =	swait.ge [sflag:s22], s20  }
0x9f: {  	s4 =	ssub.s32 $0x0, s20;
	[sflag:s22] =	ssyncset.done $0x0  }
0xa0: {  	[sflag:s22] =	ssyncadd.s32 s4;
	_ =	sdelay $0x1  }
0xa1: {  	s23 =	simm.s32 $0x1B8B  }
0xa2: {  	_ =	swait.ge [sflag:s23], $0x1  }
0xa3: {  	[sflag:s23] =	ssyncset.done $0x0  }
0xa4: {  	s25 =	simm.s32 $0x1B8E;
	s24 =	sld [smem:$0x3FFE];
	[sflag:s23] =	ssyncadd.s32 $0xFFFFFFFF  }
0xa5: {  	s26 =	simm.s32 $execute0_lowered;
	[smem:$0x3FD2] =	sst s25  }
0xa6: {  	s5 =	sshll.u32 s26, $0x1;
	_ =	strace $0x80000046;
	[dreg:$0x1] =	wrdreg $0xFFFFFFFF  }
0xa7: {  	s28 =	simm.s32 $_size_execute0_lowered;
	s3 =	sadd.s32 s3, s5;
	[dreg:$0x0] =	wrdreg $0x0  }
0xa8: {  	s5 =	sshll.u32 s28, $0x1;
	[dreg:$0x2] =	wrdreg s3  }
0xa9: {  	[dreg:$0x3] =	wrdreg s5  }
0xaa: {  	[dreg:$0x4] =	wrdreg $0xC0  }
0xab: {  	_ =	task [dreg:s7], $0x5FFFF  }
0xac: {  	[dreg:$0x1] =	wrdreg $0xFFFFFFFF  }
0xad: {  	[dreg:$0x0] =	wrdreg $0x60  }
0xae: {  	[dreg:$0x2] =	wrdreg s2  }
0xaf: {  	[dreg:$0x3] =	wrdreg s24  }
0xb0: {  	[dreg:$0x4] =	wrdreg $0x9  }
0xb1: {  	_ =	task.clear_ibuf [dreg:s7], $0x5FFFF;
	_ =	strace $0x90000046  }
0xb2: {  	s29 =	simm.s32 $0x9;
	_ =	strace $0x80000048  }
0xb3: {  	_ =	swait.ge [sflag:s29], $0x1  }
0xb4: {  	[sflag:s29] =	ssyncadd.s32 $0xFFFFFFFF  }
0xb5: {  	_ =	strace $0x90000048  }
0xb6: {  	_ =	sfence  }
0xb7: {  	s30 =	sld [smem:$0x0];
	_ =	sdelay $0x2  }
0xb8: {  	s31 =	sshll.u32 s1, $0xD;
	s1 =	sshrl.u32 s1, $0x2  }
0xb9: {  	s3 =	sand.u32 $0x4000, s31;
	s1 =	sadd.s32 s1, s30  }
0xba: {  	s0 =	sor.u32 s3, s0;
	s1 =	sshll.u32 s1, $0x11  }
0xbb: {  	s0 =	sor.u32 s1, s0  }
0xbc: {  	s0 =	sadd.s32 $0x8F2B, s0  }
0xbd: {  	[sflag:s0] =	ssyncadd.remote.s32 $0x1  }
0xbe: {  	_ =	sfence.sel $0xFFFF  }
0xbf: {  	[dreg:$0x0] =	wrdreg $0xFFFFFFFF;
	(pc) =	sbr.abs _section_cstart, $3  }
0xc0: {  	[dreg:$0x1] =	wrdreg $0xFFFFFFFF  }
0xc1: {  	_ =	task.clear_ibuf [dreg:s7], $0x2FFFF;
	_ =	strace $0x9FFFFFFF  }
0xc2: {  	(tm) =	ssettm $0x7FFFFFFF  }
0xc3: {  	_ =	shalt  }
tec
execute0_lowered:
.L_overlay_start_1:
0x0: {  	(tag) =	ssettag $0x1  }
0x1: {  	s1 =	srdreg.scid  }
0x2: {  	s2 =	stileid.u32;
	s1 =	sand.u32 $0x1, s1  }
0x3: {  	s2 =	sshll.u32 s2, $0x6;
	s4 =	sshll.u32 s1, $0x5  }
0x4: {  	s2 =	sor.u32 s4, s2  }
0x5: {  	s0 =	rddreg [dreg:$0x1];
	s1 =	ssub.s32 $0x2, s1;
	s4 =	sshll.u32 s2, $0xD  }
0x6: {  	s3 =	simm.s32 $0x0;
	s5 =	sshrl.u32 s1, $0x1;
	s0 =	sadd.s32 s4, s0  }
0x7: {  	[smem:$0x7FF] =	sst s3;
	s8 =	ssub.s32 s1, s5;
	s5 =	sadd.s32 $0x800, s0  }
0x8: {  	_ =	strace $0x80000047;
	s6 =	sadd.s32 $0x2800, s0;
	[dreg:$0x3] =	wrdreg s5  }
0x9: {  	s9 =	sadd.s32 $0x4800, s0;
	[dreg:$0x4] =	wrdreg s6  }
0xa: {  	s10 =	sadd.s32 $0x6800, s0;
	[dreg:$0x5] =	wrdreg s9  }
0xb: {  	s11 =	sadd.s32 $0x8800, s0;
	[dreg:$0x6] =	wrdreg s10  }
0xc: {  	s12 =	sadd.s32 $0xA800, s0;
	[dreg:$0x7] =	wrdreg s11  }
0xd: {  	s13 =	sadd.s32 $0xC800, s0;
	[dreg:$0x8] =	wrdreg s12  }
0xe: {  	s14 =	sadd.s32 $0xE800, s0;
	[dreg:$0x9] =	wrdreg s13  }
0xf: {  	s15 =	sadd.s32 $0x10800, s0;
	[dreg:$0xa] =	wrdreg s14  }
0x10: {  	s16 =	sadd.s32 $0x12800, s0;
	[dreg:$0xb] =	wrdreg s15  }
0x11: {  	s17 =	sadd.s32 $0x14800, s0;
	[dreg:$0xc] =	wrdreg s16  }
0x12: {  	s18 =	sadd.s32 $0x16800, s0;
	[dreg:$0xd] =	wrdreg s17  }
0x13: {  	s19 =	sadd.s32 $0x18800, s0;
	[dreg:$0xe] =	wrdreg s18  }
0x14: {  	s20 =	sadd.s32 $0x1A800, s0;
	[dreg:$0xf] =	wrdreg s19  }
0x15: {  	s21 =	sadd.s32 $0x1C800, s0;
	[dreg:$0x10] =	wrdreg s20  }
0x16: {  	s22 =	sadd.s32 $0x1E800, s0;
	[dreg:$0x11] =	wrdreg s21  }
0x17: {  	s23 =	sadd.s32 $0x20800, s0;
	[dreg:$0x12] =	wrdreg s22  }
0x18: {  	s24 =	sadd.s32 $0x22800, s0;
	[dreg:$0x13] =	wrdreg s23  }
0x19: {  	s25 =	sadd.s32 $0x24800, s0;
	[dreg:$0x14] =	wrdreg s24  }
0x1a: {  	s26 =	sadd.s32 $0x26800, s0;
	[dreg:$0x15] =	wrdreg s25  }
0x1b: {  	s4 =	sshll.u32 s2, $0x7;
	s2 =	sadd.s32 $0x28800, s0;
	[dreg:$0x16] =	wrdreg s26  }
0x1c: {  	s7 =	sand.u32 $0xF000, s4;
	s4 =	sadd.s32 $0x2A800, s0;
	[dreg:$0x17] =	wrdreg s2  }
0x1d: {  	[dreg:$0x18] =	wrdreg s4;
	s5 =	sadd.s32 $0x2C800, s0  }
0x1e: {  	s6 =	sadd.s32 $0x2E800, s0;
	[dreg:$0x19] =	wrdreg s5  }
0x1f: {  	s9 =	sadd.s32 $0x30800, s0;
	[dreg:$0x1a] =	wrdreg s6  }
0x20: {  	s10 =	sadd.s32 $0x32800, s0;
	[dreg:$0x1b] =	wrdreg s9  }
0x21: {  	s11 =	sadd.s32 $0x34800, s0;
	[dreg:$0x1c] =	wrdreg s10  }
0x22: {  	s12 =	sadd.s32 $0x36800, s0;
	[dreg:$0x1d] =	wrdreg s11  }
0x23: {  	s13 =	sadd.s32 $0x38800, s0;
	[dreg:$0x1e] =	wrdreg s12  }
0x24: {  	s14 =	sadd.s32 $0x3A800, s0;
	[dreg:$0x1f] =	wrdreg s13  }
0x25: {  	s15 =	sadd.s32 $0x3C800, s0;
	[smem:$0x7F0] =	sst s14  }
0x26: {  	s0 =	sadd.s32 $0x3E800, s0;
	[smem:$0x7F1] =	sst s15  }
0x27: {  	s16 =	sxor.u32 $0xFF80, s7;
	[smem:$0x7F2] =	sst s0  }
0x28: {  	s17 =	sxor.u32 $0xFF00, s7;
	[smem:$0x7F3] =	sst s16  }
0x29: {  	s18 =	sxor.u32 $0xFE80, s7;
	[smem:$0x7F4] =	sst s17  }
0x2a: {  	s8 =	smax.u32 s8, $0x1;
	s19 =	sxor.u32 $0xFE00, s7;
	[smem:$0x7F5] =	sst s18  }
0x2b: {  	s20 =	sxor.u32 $0xFD80, s7;
	s21 =	sxor.u32 $0xFD00, s7;
	[smem:$0x7F6] =	sst s19  }
0x2c: {  	s22 =	sxor.u32 $0xFC80, s7;
	s23 =	sxor.u32 $0xFC00, s7;
	[smem:$0x7F7] =	sst s20  }
0x2d: {  	s24 =	sxor.u32 $0xFB80, s7;
	s25 =	sxor.u32 $0xFB00, s7;
	[smem:$0x7F8] =	sst s21  }
0x2e: {  	s26 =	sxor.u32 $0xFA80, s7;
	s28 =	sxor.u32 $0xF500, s7;
	[smem:$0x7F9] =	sst s22  }
0x2f: {  	s29 =	sxor.u32 $0xF480, s7;
	s30 =	sxor.u32 $0xF400, s7;
	[smem:$0x7FA] =	sst s23  }
0x30: {  	s31 =	sxor.u32 $0xF380, s7;
	s1 =	sxor.u32 $0xF280, s7;
	[smem:$0x7FB] =	sst s24  }
0x31: {  	s2 =	sxor.u32 $0xF200, s7;
	s4 =	sxor.u32 $0xF180, s7;
	[smem:$0x7FC] =	sst s25  }
0x32: {  	[smem:$0x7FD] =	sst s26;
	s17 =	sxor.u32 $0xFA00, s7;
	s18 =	sxor.u32 $0xF980, s7  }
0x33: {  	s19 =	sxor.u32 $0xF900, s7;
	s20 =	sxor.u32 $0xF880, s7;
	s21 =	sxor.u32 $0xF800, s7  }
0x34: {  	s22 =	sxor.u32 $0xF780, s7;
	s23 =	sxor.u32 $0xF700, s7;
	s24 =	sxor.u32 $0xF680, s7  }
0x35: {  	s25 =	sxor.u32 $0xF600, s7;
	s26 =	sxor.u32 $0xF580, s7;
	s0 =	sxor.u32 $0xF300, s7  }
0x36: {  	s5 =	sxor.u32 $0xF100, s7;
	s6 =	sxor.u32 $0xF080, s7;
	s7 =	sxor.u32 $0xF000, s7  }
0x37: {  	s9 =	simm.s32 $0x2;
	s10 =	simm.s32 $0x1;
	s11 =	simm.s32 $0x0  }
.LBB2_1:
0x38: {  	s12 =	rddreg [dreg:$0x0]  }
0x39: {  	[tilespmem:s3], [sflag:$0x2] =	stream.linear.gather [hbm4b:s12+s3], $0x1FF80, $0x38;
	v63 =	vld [tilespmem:$0x0]  }
0x3a: {  	_ =	swait.ge [sflag:s9], $0x1FF80  }
0x3b: {  	[sflag:s9] =	ssyncset.done $0x0  }
0x3c: {  	s13 =	simm.s32 $0x0;
	[sflag:s9] =	ssyncadd.s32 $0xFFFE0080  }
0x3d: {  	s12 =	simm.s32 $0x20;
	v0 =	vld [tilespmem:s13+$0x1FF00]  }
0x3e: {  	v1 =	vld [tilespmem:s12+$0xFFFFFFE0];
	_ =	sdelay $0x3  }
0x3f: {  	[tilespmem:s12+$0xFFFFFFE0] =	vst v0  }
0x40: {  	[tilespmem:s13+$0x1FF00] =	vst v1;
	v0 =	vld [tilespmem:s13+$0x1FF10]  }
0x41: {  	v1 =	vld [tilespmem:s12+$0xFFFFFFF0];
	_ =	sdelay $0x3  }
0x42: {  	[tilespmem:s12+$0xFFFFFFF0] =	vst v0  }
0x43: {  	[tilespmem:s13+$0x1FF10] =	vst v1;
	v0 =	vld [tilespmem:s13+$0x1FF20]  }
0x44: {  	v1 =	vld [tilespmem:s12+$0x0];
	_ =	sdelay $0x3  }
0x45: {  	[tilespmem:s12+$0x0] =	vst v0  }
0x46: {  	[tilespmem:s13+$0x1FF20] =	vst v1;
	v1 =	vld [tilespmem:s13+$0x1FF30];
	_ =	sdelay $0x1  }
0x47: {  	v0 =	vld [tilespmem:s12+$0x10];
	_ =	sdelay $0x2  }
0x48: {  	s14 =	simm.s32 $0xFFFFFC00;
	s15 =	simm.s32 $0xFFFFFF80;
	[tilespmem:s12+$0x10] =	vst v1  }
.LBB2_2:
0x49: {  	p0 =	sne.s32 s14, $0xFFFC0400;
	s12 =	sadd.s32 $0x80, s12  }
0x4a: {  	v1 =	vld [tilespmem:s15+$0x1FF00];
	[tilespmem:s13+$0x1FF30] =	vst v0;
	s16 =	smov.u32 s14;
	s14 =	sadd.s32 $0xFFFFFE00, s14;
	s13 =	smov.u32 s15  }
0x4b: {  	v0 =	vld [tilespmem:s12+$0xFFFFFFE0];
	_ =	sdelay $0x3  }
0x4c: {  	[tilespmem:s12+$0xFFFFFFE0] =	vst v1  }
0x4d: {  	[tilespmem:s13+$0x1FF00] =	vst v0;
	v0 =	vld [tilespmem:s13+$0x1FF10]  }
0x4e: {  	v1 =	vld [tilespmem:s12+$0xFFFFFFF0];
	_ =	sdelay $0x3  }
0x4f: {  	[tilespmem:s12+$0xFFFFFFF0] =	vst v0  }
0x50: {  	[tilespmem:s13+$0x1FF10] =	vst v1;
	v0 =	vld [tilespmem:s13+$0x1FF20]  }
0x51: {  	v1 =	vld [tilespmem:s12+$0x0];
	_ =	sdelay $0x3  }
0x52: {  	[tilespmem:s12+$0x0] =	vst v0  }
0x53: {  	[tilespmem:s13+$0x1FF20] =	vst v1;
	v1 =	vld [tilespmem:s13+$0x1FF30]  }
.Ltmp0:
0x54: {  	v0 =	vld [tilespmem:s12+$0x10];
	(pc) =	sbr.rel @p0 .LBB2_2-.Ltmp0, $2  }
0x55: {  	_ =	sdelay $0x2  }
0x56: {  	s15 =	sshra.s32 s16, $0x2;
	[tilespmem:s12+$0x10] =	vst v1  }
0x57: {  	v1 =	vld [tilespmem:s15+$0x1FF00];
	[tilespmem:s13+$0x1FF30] =	vst v0;
	s12 =	sadd.s32 $0x80, s12  }
0x58: {  	v0 =	vld [tilespmem:s12+$0xFFFFFFE0];
	_ =	sdelay $0x3  }
0x59: {  	[tilespmem:s12+$0xFFFFFFE0] =	vst v1  }
0x5a: {  	[tilespmem:s15+$0x1FF00] =	vst v0;
	v61 =	vld [tilespmem:s15+$0x1FF10]  }
0x5b: {  	v62 =	vld [tilespmem:s12+$0xFFFFFFF0];
	_ =	sdelay $0x3  }
0x5c: {  	[tilespmem:s12+$0xFFFFFFF0] =	vst v61  }
0x5d: {  	[tilespmem:s15+$0x1FF10] =	vst v62;
	v0 =	vld [tilespmem:s15+$0x1FF20]  }
0x5e: {  	v1 =	vld [tilespmem:s12+$0x0];
	_ =	sdelay $0x3  }
0x5f: {  	[tilespmem:s12+$0x0] =	vst v0  }
0x60: {  	[tilespmem:s15+$0x1FF20] =	vst v1;
	v0 =	vld [tilespmem:s15+$0x1FF30]  }
0x61: {  	v1 =	vld [tilespmem:s12+$0x10];
	_ =	sdelay $0x1  }
0x62: {  	s13 =	rddreg [dreg:$0x3]  }
0x63: {  	s14 =	sld [smem:$0x7F3]  }
0x64: {  	s16 =	sld [smem:$0x7F4];
	[tilespmem:s12+$0x10] =	vst v0  }
0x65: {  	[tilespmem:s15+$0x1FF30] =	vst v1;
	s15 =	rddreg [dreg:$0x4]  }
0x66: {  	[hbm4b:s13+s3] =	stream.linear.scatter [tilespmem:s14], [sflag:$0x1], $0x10000, $0x38;
	v63 =	vld [tilespmem:$0x0]  }
0x67: {  	s13 =	rddreg [dreg:$0x5]  }
0x68: {  	s14 =	sld [smem:$0x7F5]  }
0x69: {  	[hbm4b:s15+s3] =	stream.linear.scatter [tilespmem:s16], [sflag:$0x1], $0x10000, $0x38;
	v63 =	vld [tilespmem:$0x0]  }
0x6a: {  	s15 =	rddreg [dreg:$0x6]  }
0x6b: {  	s16 =	sld [smem:$0x7F6]  }
0x6c: {  	[hbm4b:s13+s3] =	stream.linear.scatter [tilespmem:s14], [sflag:$0x1], $0x10000, $0x38;
	v63 =	vld [tilespmem:$0x0]  }
0x6d: {  	s13 =	rddreg [dreg:$0x7]  }
0x6e: {  	s14 =	sld [smem:$0x7F7]  }
0x6f: {  	[hbm4b:s15+s3] =	stream.linear.scatter [tilespmem:s16], [sflag:$0x1], $0x10000, $0x38;
	v63 =	vld [tilespmem:$0x0]  }
0x70: {  	s15 =	rddreg [dreg:$0x8]  }
0x71: {  	s16 =	sld [smem:$0x7F8]  }
0x72: {  	[hbm4b:s13+s3] =	stream.linear.scatter [tilespmem:s14], [sflag:$0x1], $0x10000, $0x38;
	v63 =	vld [tilespmem:$0x0]  }
0x73: {  	s13 =	rddreg [dreg:$0x9]  }
0x74: {  	s14 =	sld [smem:$0x7F9]  }
0x75: {  	[hbm4b:s15+s3] =	stream.linear.scatter [tilespmem:s16], [sflag:$0x1], $0x10000, $0x38;
	v63 =	vld [tilespmem:$0x0]  }
0x76: {  	s15 =	rddreg [dreg:$0xa]  }
0x77: {  	s16 =	sld [smem:$0x7FA]  }
0x78: {  	[hbm4b:s13+s3] =	stream.linear.scatter [tilespmem:s14], [sflag:$0x1], $0x10000, $0x38;
	v63 =	vld [tilespmem:$0x0]  }
0x79: {  	s13 =	rddreg [dreg:$0xb]  }
0x7a: {  	s14 =	sld [smem:$0x7FB]  }
0x7b: {  	[hbm4b:s15+s3] =	stream.linear.scatter [tilespmem:s16], [sflag:$0x1], $0x10000, $0x38;
	v63 =	vld [tilespmem:$0x0]  }
0x7c: {  	s16 =	sld [smem:$0x7FC]  }
0x7d: {  	[hbm4b:s13+s3] =	stream.linear.scatter [tilespmem:s14], [sflag:$0x1], $0x10000, $0x38;
	v63 =	vld [tilespmem:$0x0]  }
0x7e: {  	s15 =	rddreg [dreg:$0xc]  }
0x7f: {  	[hbm4b:s15+s3] =	stream.linear.scatter [tilespmem:s16], [sflag:$0x1], $0x10000, $0x38;
	v63 =	vld [tilespmem:$0x0]  }
0x80: {  	s15 =	sld [smem:$0x7FD]  }
0x81: {  	s14 =	rddreg [dreg:$0xd]  }
0x82: {  	s13 =	rddreg [dreg:$0xf]  }
0x83: {  	[hbm4b:s14+s3] =	stream.linear.scatter [tilespmem:s15], [sflag:$0x1], $0x10000, $0x38;
	v63 =	vld [tilespmem:$0x0]  }
0x84: {  	s16 =	rddreg [dreg:$0xe]  }
0x85: {  	[hbm4b:s16+s3] =	stream.linear.scatter [tilespmem:s17], [sflag:$0x1], $0x10000, $0x38;
	v63 =	vld [tilespmem:$0x0]  }
0x86: {  	s14 =	rddreg [dreg:$0x10]  }
0x87: {  	[hbm4b:s13+s3] =	stream.linear.scatter [tilespmem:s18], [sflag:$0x1], $0x10000, $0x38;
	v63 =	vld [tilespmem:$0x0]  }
0x88: {  	s15 =	rddreg [dreg:$0x11]  }
0x89: {  	[hbm4b:s14+s3] =	stream.linear.scatter [tilespmem:s19], [sflag:$0x1], $0x10000, $0x38;
	v63 =	vld [tilespmem:$0x0]  }
0x8a: {  	s16 =	rddreg [dreg:$0x12]  }
0x8b: {  	[hbm4b:s15+s3] =	stream.linear.scatter [tilespmem:s20], [sflag:$0x1], $0x10000, $0x38;
	v63 =	vld [tilespmem:$0x0]  }
0x8c: {  	s13 =	rddreg [dreg:$0x13]  }
0x8d: {  	[hbm4b:s16+s3] =	stream.linear.scatter [tilespmem:s21], [sflag:$0x1], $0x10000, $0x38;
	v63 =	vld [tilespmem:$0x0]  }
0x8e: {  	s14 =	rddreg [dreg:$0x14]  }
0x8f: {  	[hbm4b:s13+s3] =	stream.linear.scatter [tilespmem:s22], [sflag:$0x1], $0x10000, $0x38;
	v63 =	vld [tilespmem:$0x0]  }
0x90: {  	s15 =	rddreg [dreg:$0x15]  }
0x91: {  	[hbm4b:s14+s3] =	stream.linear.scatter [tilespmem:s23], [sflag:$0x1], $0x10000, $0x38;
	v63 =	vld [tilespmem:$0x0]  }
0x92: {  	s16 =	rddreg [dreg:$0x16]  }
0x93: {  	[hbm4b:s15+s3] =	stream.linear.scatter [tilespmem:s24], [sflag:$0x1], $0x10000, $0x38;
	v63 =	vld [tilespmem:$0x0]  }
0x94: {  	s13 =	rddreg [dreg:$0x17]  }
0x95: {  	[hbm4b:s16+s3] =	stream.linear.scatter [tilespmem:s25], [sflag:$0x1], $0x10000, $0x38;
	v63 =	vld [tilespmem:$0x0]  }
0x96: {  	s14 =	rddreg [dreg:$0x18]  }
0x97: {  	[hbm4b:s13+s3] =	stream.linear.scatter [tilespmem:s26], [sflag:$0x1], $0x10000, $0x38;
	v63 =	vld [tilespmem:$0x0]  }
0x98: {  	s15 =	rddreg [dreg:$0x19]  }
0x99: {  	[hbm4b:s14+s3] =	stream.linear.scatter [tilespmem:s28], [sflag:$0x1], $0x10000, $0x38;
	v63 =	vld [tilespmem:$0x0]  }
0x9a: {  	s16 =	rddreg [dreg:$0x1a]  }
0x9b: {  	[hbm4b:s15+s3] =	stream.linear.scatter [tilespmem:s29], [sflag:$0x1], $0x10000, $0x38;
	v63 =	vld [tilespmem:$0x0]  }
0x9c: {  	s13 =	rddreg [dreg:$0x1b]  }
0x9d: {  	[hbm4b:s16+s3] =	stream.linear.scatter [tilespmem:s30], [sflag:$0x1], $0x10000, $0x38;
	v63 =	vld [tilespmem:$0x0]  }
0x9e: {  	s14 =	rddreg [dreg:$0x1c]  }
0x9f: {  	[hbm4b:s13+s3] =	stream.linear.scatter [tilespmem:s31], [sflag:$0x1], $0x10000, $0x38;
	v63 =	vld [tilespmem:$0x0]  }
0xa0: {  	s15 =	rddreg [dreg:$0x1d]  }
0xa1: {  	[hbm4b:s14+s3] =	stream.linear.scatter [tilespmem:s0], [sflag:$0x1], $0x10000, $0x38;
	v63 =	vld [tilespmem:$0x0]  }
0xa2: {  	s16 =	rddreg [dreg:$0x1e]  }
0xa3: {  	[hbm4b:s15+s3] =	stream.linear.scatter [tilespmem:s1], [sflag:$0x1], $0x10000, $0x38;
	v63 =	vld [tilespmem:$0x0]  }
0xa4: {  	s13 =	rddreg [dreg:$0x1f]  }
0xa5: {  	[hbm4b:s16+s3] =	stream.linear.scatter [tilespmem:s2], [sflag:$0x1], $0x10000, $0x38;
	v63 =	vld [tilespmem:$0x0]  }
0xa6: {  	s14 =	sld [smem:$0x7F0]  }
0xa7: {  	[hbm4b:s13+s3] =	stream.linear.scatter [tilespmem:s4], [sflag:$0x1], $0x10000, $0x38;
	v63 =	vld [tilespmem:$0x0]  }
0xa8: {  	s15 =	sld [smem:$0x7F1]  }
0xa9: {  	[hbm4b:s14+s3] =	stream.linear.scatter [tilespmem:s5], [sflag:$0x1], $0x10000, $0x38;
	v63 =	vld [tilespmem:$0x0]  }
0xaa: {  	s16 =	sld [smem:$0x7F2]  }
0xab: {  	[hbm4b:s15+s3] =	stream.linear.scatter [tilespmem:s6], [sflag:$0x1], $0x10000, $0x38;
	v63 =	vld [tilespmem:$0x0]  }
0xac: {  	_ = 	snop  }
0xad: {  	[hbm4b:s16+s3] =	stream.linear.scatter [tilespmem:s7], [sflag:$0x1], $0x10000, $0x38;
	v63 =	vld [tilespmem:$0x0]  }
0xae: {  	_ =	swait.ge [sflag:s10], $0x10000  }
0xaf: {  	[sflag:s10] =	ssyncset.done $0x0  }
0xb0: {  	[sflag:s10] =	ssyncadd.s32 $0xFFFF0000  }
0xb1: {  	_ =	swait.ge [sflag:s10], $0x10000  }
0xb2: {  	[sflag:s10] =	ssyncset.done $0x0  }
0xb3: {  	[sflag:s10] =	ssyncadd.s32 $0xFFFF0000  }
0xb4: {  	_ =	swait.ge [sflag:s10], $0x10000  }
0xb5: {  	[sflag:s10] =	ssyncset.done $0x0  }
0xb6: {  	[sflag:s10] =	ssyncadd.s32 $0xFFFF0000  }
0xb7: {  	_ =	swait.ge [sflag:s10], $0x10000  }
0xb8: {  	[sflag:s10] =	ssyncset.done $0x0  }
0xb9: {  	[sflag:s10] =	ssyncadd.s32 $0xFFFF0000  }
0xba: {  	_ =	swait.ge [sflag:s10], $0x10000  }
0xbb: {  	[sflag:s10] =	ssyncset.done $0x0  }
0xbc: {  	[sflag:s10] =	ssyncadd.s32 $0xFFFF0000  }
0xbd: {  	_ =	swait.ge [sflag:s10], $0x10000  }
0xbe: {  	[sflag:s10] =	ssyncset.done $0x0  }
0xbf: {  	[sflag:s10] =	ssyncadd.s32 $0xFFFF0000  }
0xc0: {  	_ =	swait.ge [sflag:s10], $0x10000  }
0xc1: {  	[sflag:s10] =	ssyncset.done $0x0  }
0xc2: {  	[sflag:s10] =	ssyncadd.s32 $0xFFFF0000  }
0xc3: {  	_ =	swait.ge [sflag:s10], $0x10000  }
0xc4: {  	[sflag:s10] =	ssyncset.done $0x0  }
0xc5: {  	[sflag:s10] =	ssyncadd.s32 $0xFFFF0000  }
0xc6: {  	_ =	swait.ge [sflag:s10], $0x10000  }
0xc7: {  	[sflag:s10] =	ssyncset.done $0x0  }
0xc8: {  	[sflag:s10] =	ssyncadd.s32 $0xFFFF0000  }
0xc9: {  	_ =	swait.ge [sflag:s10], $0x10000  }
0xca: {  	[sflag:s10] =	ssyncset.done $0x0  }
0xcb: {  	[sflag:s10] =	ssyncadd.s32 $0xFFFF0000  }
0xcc: {  	_ =	swait.ge [sflag:s10], $0x10000  }
0xcd: {  	[sflag:s10] =	ssyncset.done $0x0  }
0xce: {  	[sflag:s10] =	ssyncadd.s32 $0xFFFF0000  }
0xcf: {  	_ =	swait.ge [sflag:s10], $0x10000  }
0xd0: {  	[sflag:s10] =	ssyncset.done $0x0  }
0xd1: {  	[sflag:s10] =	ssyncadd.s32 $0xFFFF0000  }
0xd2: {  	_ =	swait.ge [sflag:s10], $0x10000  }
0xd3: {  	[sflag:s10] =	ssyncset.done $0x0  }
0xd4: {  	[sflag:s10] =	ssyncadd.s32 $0xFFFF0000  }
0xd5: {  	_ =	swait.ge [sflag:s10], $0x10000  }
0xd6: {  	[sflag:s10] =	ssyncset.done $0x0  }
0xd7: {  	[sflag:s10] =	ssyncadd.s32 $0xFFFF0000  }
0xd8: {  	_ =	swait.ge [sflag:s10], $0x10000  }
0xd9: {  	[sflag:s10] =	ssyncset.done $0x0  }
0xda: {  	[sflag:s10] =	ssyncadd.s32 $0xFFFF0000  }
0xdb: {  	_ =	swait.ge [sflag:s10], $0x10000  }
0xdc: {  	[sflag:s10] =	ssyncset.done $0x0  }
0xdd: {  	[sflag:s10] =	ssyncadd.s32 $0xFFFF0000  }
0xde: {  	_ =	swait.ge [sflag:s10], $0x10000  }
0xdf: {  	[sflag:s10] =	ssyncset.done $0x0  }
0xe0: {  	[sflag:s10] =	ssyncadd.s32 $0xFFFF0000  }
0xe1: {  	_ =	swait.ge [sflag:s10], $0x10000  }
0xe2: {  	[sflag:s10] =	ssyncset.done $0x0  }
0xe3: {  	[sflag:s10] =	ssyncadd.s32 $0xFFFF0000  }
0xe4: {  	_ =	swait.ge [sflag:s10], $0x10000  }
0xe5: {  	[sflag:s10] =	ssyncset.done $0x0  }
0xe6: {  	[sflag:s10] =	ssyncadd.s32 $0xFFFF0000  }
0xe7: {  	_ =	swait.ge [sflag:s10], $0x10000  }
0xe8: {  	[sflag:s10] =	ssyncset.done $0x0  }
0xe9: {  	[sflag:s10] =	ssyncadd.s32 $0xFFFF0000  }
0xea: {  	_ =	swait.ge [sflag:s10], $0x10000  }
0xeb: {  	[sflag:s10] =	ssyncset.done $0x0  }
0xec: {  	[sflag:s10] =	ssyncadd.s32 $0xFFFF0000  }
0xed: {  	_ =	swait.ge [sflag:s10], $0x10000  }
0xee: {  	[sflag:s10] =	ssyncset.done $0x0  }
0xef: {  	[sflag:s10] =	ssyncadd.s32 $0xFFFF0000  }
0xf0: {  	_ =	swait.ge [sflag:s10], $0x10000  }
0xf1: {  	[sflag:s10] =	ssyncset.done $0x0  }
0xf2: {  	[sflag:s10] =	ssyncadd.s32 $0xFFFF0000  }
0xf3: {  	_ =	swait.ge [sflag:s10], $0x10000  }
0xf4: {  	[sflag:s10] =	ssyncset.done $0x0  }
0xf5: {  	[sflag:s10] =	ssyncadd.s32 $0xFFFF0000  }
0xf6: {  	_ =	swait.ge [sflag:s10], $0x10000  }
0xf7: {  	[sflag:s10] =	ssyncset.done $0x0  }
0xf8: {  	[sflag:s10] =	ssyncadd.s32 $0xFFFF0000  }
0xf9: {  	_ =	swait.ge [sflag:s10], $0x10000  }
0xfa: {  	[sflag:s10] =	ssyncset.done $0x0  }
0xfb: {  	[sflag:s10] =	ssyncadd.s32 $0xFFFF0000  }
0xfc: {  	_ =	swait.ge [sflag:s10], $0x10000  }
0xfd: {  	[sflag:s10] =	ssyncset.done $0x0  }
0xfe: {  	[sflag:s10] =	ssyncadd.s32 $0xFFFF0000  }
0xff: {  	_ =	swait.ge [sflag:s10], $0x10000  }
0x100: {  	[sflag:s10] =	ssyncset.done $0x0  }
0x101: {  	[sflag:s10] =	ssyncadd.s32 $0xFFFF0000  }
0x102: {  	_ =	swait.ge [sflag:s10], $0x10000  }
0x103: {  	[sflag:s10] =	ssyncset.done $0x0  }
0x104: {  	[sflag:s10] =	ssyncadd.s32 $0xFFFF0000  }
0x105: {  	_ =	swait.ge [sflag:s10], $0x10000  }
0x106: {  	[sflag:s10] =	ssyncset.done $0x0  }
0x107: {  	s11 =	sadd.s32 $0x1, s11;
	[sflag:s10] =	ssyncadd.s32 $0xFFFF0000  }
0x108: {  	p0 =	sne.s32 s11, s8;
	_ =	swait.ge [sflag:s10], $0x10000  }
.Ltmp1:
0x109: {  	[sflag:s10] =	ssyncset.done $0x0;
	(pc) =	sbr.rel @p0 .LBB2_1-.Ltmp1, $4  }
0x10a: {  	[sflag:s10] =	ssyncadd.s32 $0xFFFF0000  }
0x10b: {  	_ =	swait.ge [sflag:s10], $0x10000  }
0x10c: {  	[sflag:s10] =	ssyncset.done $0x0  }
0x10d: {  	[sflag:s10] =	ssyncadd.s32 $0xFFFF0000  }
0x10e: {  	_ =	sfence.sel $0x180000  }
0x10f: {  	[bflag:$0x0] =	sbarrier.arrive $0xFFFF  }
0x110: {  	_ =	strace $0x90000047  }
0x111: {  	s0 =	stileid.u32;
	[bflag:$0x2] =	sbarrier.arrive $0xFFFF  }
0x112: {  	p0 =	sne.s32 s0, $0x0;
	s0 =	rddreg [dreg:$0x2]  }
0x113: {  	s0 =	sadd.s32 @!p0 $0x100000, s0  }
0x114: {  	[sflag:s0] =	ssyncadd.tile.s32 @!p0 $0x1;
	_ =	shalt  }
.Lfunc_end2:
_tile_overlayer_lowered:
.L_overlay_start_2:
0x115: {  	(tag) =	ssettag $0x2  }
0x116: {  	s0 =	rddreg [dreg:$0x0];
	s2 =	stileid.u32  }
0x117: {  	s1 =	rddreg [dreg:$0x1];
	p0 =	sne.s32 s2, $0x0  }
0x118: {  	s3 =	rddreg [dreg:$0x2];
	[bflag:$0x3] =	sbarrier.arrive $0xFFFF;
	s2 =	simm.s32 @!p0 $0x1C02  }
0x119: {  	[timem:s3], [sflag:s2] =	dma.local @!p0 [hbm:s0], s1  }
0x11a: {  	s0 =	simm.s32 @!p0 $0x2  }
0x11b: {  	_ =	swait.ge @!p0 [sflag:s0], s1  }
0x11c: {  	s1 =	ssub.s32 @!p0 $0x0, s1;
	[sflag:s0] =	ssyncset.done @!p0 $0x0  }
0x11d: {  	[sflag:s0] =	ssyncadd.s32 @!p0 s1  }
0x11e: {  	[bflag:$0x3] =	sbarrier.arrive $0xFFFF  }
0x11f: {  	_ =	shalt  }

// kernel: sparse-core-data-format-call.cloned.1.call-start
scs
called_computation_lowered:
.L_overlay_start_0:
0x0: {  	s2 =	sld [smem:$0x3FD9]  }
0x1: {  	s3 =	sld [smem:$0x3FFE];
	_ =	sdelay $0x1  }
0x2: {  	s1 =	srdreg.scid  }
0x3: {  	s0 =	sand.u32 $0x1, s1  }
0x4: {  	s18 =	sshll.u32 s0, $0xA;
	s2 =	sadd.s32 s3, s2  }
0x5: {  	s2 =	sadd.s32 s2, s18  }
0x6: {  	[smem:$0x3FC5] =	sst s2  }
0x7: {  	_ = 	snop  }
0x8: {  	s2 =	sld [smem:$0x3FD0];
	(tm) =	ssettm $0x1  }
0x9: {  	s19 =	sld [smem:$0x3FFB];
	_ =	sdelay $0x3  }
0xa: {  	_ =	strace s19  }
0xb: {  	s3 =	sld [smem:$0x3FFC];
	_ =	sdelay $0x3  }
0xc: {  	_ =	strace s3  }
0xd: {  	s3 =	sld [smem:$0x3FFD];
	_ =	sdelay $0x3  }
0xe: {  	_ =	strace s3  }
0xf: {  	_ =	strace $0x8FFFFFFF  }
0x10: {  	s20 =	sld [smem:$0x3FDB];
	_ =	sdelay $0x1  }
0x11: {  	s4 =	simm.s32 $_scs_section_size  }
0x12: {  	s5 =	simm.s32 $_size__tile_overlayer_lowered;
	s6 =	simm.s32 $_tile_overlayer_lowered  }
0x13: {  	s23 =	simm.s32 $0x1BFF;
	s22 =	sshll.u32 s6, $0x1;
	s3 =	sadd.s32 s4, s20  }
0x14: {  	s7 =	simm.s32 $0x0;
	s21 =	sshll.u32 s5, $0x1;
	s5 =	sadd.s32 s22, s3  }
0x15: {  	[timem:s7], [sflag:s23] =	dma.local [hbm:s5], s21  }
0x16: {  	_ =	swait.ge [sflag:s23], s21  }
0x17: {  	s4 =	ssub.s32 $0x0, s21;
	[sflag:s23] =	ssyncset.done $0x0  }
0x18: {  	[sflag:s23] =	ssyncadd.s32 s4;
	_ =	sdelay $0x1  }
0x19: {  	s24 =	simm.s32 $0x1B8B  }
0x1a: {  	_ =	swait.ge [sflag:s24], $0x1  }
0x1b: {  	[sflag:s24] =	ssyncset.done $0x0  }
0x1c: {  	s26 =	simm.s32 $0x1B8E;
	s25 =	sld [smem:$0x3FFE];
	[sflag:s24] =	ssyncadd.s32 $0xFFFFFFFF  }
0x1d: {  	s27 =	simm.s32 $execute0_lowered;
	[smem:$0x3FD2] =	sst s26  }
0x1e: {  	s5 =	sshll.u32 s27, $0x1;
	_ =	strace $0x80000049;
	[dreg:$0x1] =	wrdreg $0xFFFFFFFF  }
0x1f: {  	s28 =	simm.s32 $_size_execute0_lowered;
	s3 =	sadd.s32 s3, s5;
	[dreg:$0x0] =	wrdreg $0x0  }
0x20: {  	s5 =	sshll.u32 s28, $0x1;
	[dreg:$0x2] =	wrdreg s3  }
0x21: {  	[dreg:$0x3] =	wrdreg s5  }
0x22: {  	[dreg:$0x4] =	wrdreg $0xC0  }
0x23: {  	_ =	task [dreg:s7], $0x5FFFF  }
0x24: {  	[dreg:$0x1] =	wrdreg $0xFFFFFFFF  }
0x25: {  	[dreg:$0x0] =	wrdreg $0x60  }
0x26: {  	[dreg:$0x2] =	wrdreg s25  }
0x27: {  	[dreg:$0x3] =	wrdreg s2  }
0x28: {  	[dreg:$0x4] =	wrdreg $0x9  }
0x29: {  	_ =	task.clear_ibuf [dreg:s7], $0x5FFFF;
	_ =	strace $0x90000049  }
0x2a: {  	s29 =	simm.s32 $0x9;
	_ =	strace $0x8000004B  }
0x2b: {  	_ =	swait.ge [sflag:s29], $0x1  }
0x2c: {  	[sflag:s29] =	ssyncadd.s32 $0xFFFFFFFF  }
0x2d: {  	_ =	strace $0x9000004B  }
0x2e: {  	_ =	sfence  }
0x2f: {  	s30 =	sld [smem:$0x0];
	_ =	sdelay $0x2  }
0x30: {  	s31 =	sshll.u32 s1, $0xD;
	s1 =	sshrl.u32 s1, $0x2  }
0x31: {  	s3 =	sand.u32 $0x4000, s31;
	s1 =	sadd.s32 s1, s30  }
0x32: {  	s0 =	sor.u32 s3, s0;
	s1 =	sshll.u32 s1, $0x11  }
0x33: {  	s0 =	sor.u32 s1, s0  }
0x34: {  	s0 =	sadd.s32 $0x8F2B, s0  }
0x35: {  	[sflag:s0] =	ssyncadd.remote.s32 $0x1  }
0x36: {  	_ =	sfence.sel $0xFFFF  }
0x37: {  	[dreg:$0x0] =	wrdreg $0xFFFFFFFF;
	(pc) =	sbr.abs _section_cstart, $3  }
0x38: {  	[dreg:$0x1] =	wrdreg $0xFFFFFFFF  }
0x39: {  	_ =	task.clear_ibuf [dreg:s7], $0x2FFFF;
	_ =	strace $0x9FFFFFFF  }
0x3a: {  	(tm) =	ssettm $0x7FFFFFFF  }
0x3b: {  	_ =	shalt  }
tec
execute0_lowered:
.L_overlay_start_1:
0x0: {  	(tag) =	ssettag $0x1  }
0x1: {  	s1 =	srdreg.scid;
	s8 =	rddreg [dreg:$0x0]  }
0x2: {  	s0 =	stileid.u32;
	s4 =	rddreg [dreg:$0x1]  }
0x3: {  	s31 =	simm.s32 $0x2;
	s15 =	simm.s32 $0x0;
	s1 =	sshll.u32 s1, $0x4  }
0x4: {  	s10 =	simm.s32 $0x1000;
	s16 =	simm.s32 $0x0;
	s1 =	sor.u32 s0, s1  }
0x5: {  	s17 =	simm.s32 $0x0;
	s2 =	sand.u32 $0x1, s0;
	s1 =	sand.u32 $0x1E, s1  }
0x6: {  	s11 =	simm.s32 $0x0;
	s5 =	ssub.s32 $0x2, s2;
	s3 =	ssub.s32 $0x200, s1  }
0x7: {  	s14 =	simm.s32 $0x0;
	s7 =	sshrl.u32 s5, $0x1;
	s6 =	sand.u32 $0x1E, s3  }
0x8: {  	s5 =	sand.u32 $0x1, s5;
	p0 =	sne.s32 s6, $0x0;
	s6 =	simm.s32 $0x1  }
0x9: {  	s7 =	sadd.s32 s5, s7;
	s9 =	sshrl.u32 s3, $0x5;
	s6 =	simm.s32 @!p0 $0x0  }
.Ltmp0:
0xa: {  	s5 =	simm.s32 $0x1;
	s6 =	sadd.s32 s6, s9;
	(pc) =	sbr.rel .LBB1_1-.Ltmp0, $4  }
0xb: {  	s3 =	rddreg [dreg:$0x2];
	_ =	strace $0x8000004A;
	s7 =	smul.u32 s6, s7  }
0xc: {  	s13 =	smov.u32 s2;
	s12 =	smov.u32 s1;
	[sflag:s5] =	ssyncpa.u1 $0x0  }
0xd: {  	[sflag:s31] =	ssyncpa.u1 $0x0;
	p0 =	por $0x0, $0x0;
	s7 =	sshll.u32 s7, $0x2  }
0xe: {  	s6 =	sadd.s32 $0x800, s8;
	s8 =	sadd.s32 $0x2800, s8;
	s9 =	sor.u32 $0x1, s7  }
.LBB1_7:
0xf: {  	s18 =	sadd.s32 $0x80, s11  }
0x10: {  	s15 =	sadd.s32 $0x20, s12;
	s19 =	smov.u32 s12;
	p2 =	sgt.s32 s18, $0x1FF  }
0x11: {  	s19 =	smov.u32 @p2 s15  }
0x12: {  	s21 =	smov.u32 s13;
	s15 =	sadd.s32 $0x2, s13;
	p3 =	sgt.s32 s19, $0x1FF  }
0x13: {  	s21 =	smov.u32 @p3 s15  }
0x14: {  	s18 =	simm.s32 @p2 $0x0;
	p2 =	sgt.s32 s21, $0x1  }
0x15: {  	p1 =	slt.u32 s14, $0x2;
	s21 =	smov.u32 @p2 s2;
	p2 =	sne.s32 s14, s9  }
.Ltmp1:
0x16: {  	s20 =	simm.s32 @!p1 $0x2;
	(pc) =	sbr.rel @!p2 .LBB1_8-.Ltmp1, $4  }
0x17: {  	s16 =	smov.u32 s12;
	s17 =	smov.u32 s13;
	_ =	swait.ge @!p1 [sflag:s20], $0x4000  }
0x18: {  	p0 =	por !p0, !p0;
	[sflag:s20] =	ssyncset.done @!p1 $0x0;
	s19 =	smov.u32 @p3 s1  }
0x19: {  	s15 =	smov.u32 s11;
	[sflag:s20] =	ssyncadd.s32 @!p1 $0xFFFFC000;
	s11 =	smov.u32 s18  }
0x1a: {  	s12 =	smov.u32 s19;
	s14 =	sadd.s32 $0x1, s14;
	s13 =	smov.u32 s21  }
.LBB1_1:
0x1b: {  	p1 =	sge.u32 s14, s7  }
0x1c: {  	s18 =	sxor.u32 @!p1 $0xFFFFFFFF, s14;
	s19 =	sshll.u32 @!p1 s13, $0x16  }
0x1d: {  	s20 =	sshll.u32 @!p1 s12, $0xD;
	s22 =	sshll.u32 @!p1 s11, $0x4;
	s23 =	simm.s32 @!p1 $0x40  }
0x1e: {  	s24 =	simm.s32 @!p1 $0x80;
	s18 =	sshll.u32 @!p1 s18, $0xE;
	s21 =	sadd.s32 @!p1 s19, s20  }
0x1f: {  	s22 =	sand.u32 @!p1 $0x1FF0, s22;
	s19 =	sadd.s32 @!p1 s19, s8;
	s21 =	sadd.s32 @!p1 s6, s21  }
0x20: {  	s18 =	sand.u32 @!p1 $0x4000, s18;
	s19 =	sadd.s32 @!p1 s20, s19;
	s21 =	sadd.s32 @!p1 s22, s21  }
0x21: {  	[tilespmem:s18], [sflag:$0x1] =	stream.strided.gather @!p1 [hbm4b:s21+s23], $0x2000, s24, s23, $0x38;
	[tilespmem:$0x10100] =	vst v63  }
0x22: {  	s31 =	sadd.s32 $0xFFFFFFFF, s14;
	s19 =	sadd.s32 @!p1 s22, s19;
	s18 =	sor.u32 @!p1 $0x2000, s18  }
0x23: {  	[tilespmem:s18], [sflag:$0x1] =	stream.strided.gather @!p1 [hbm4b:s19+s23], $0x2000, s24, s23, $0x38;
	[tilespmem:$0x10100] =	vst v63  }
0x24: {  	p1 =	sge.u32 s31, s7  }
.Ltmp2:
0x25: {  	_ = 	snop;
	(pc) =	sbr.rel @p1 .LBB1_7-.Ltmp2, $1  }
0x26: {  	_ =	sdelay $0x3  }
0x27: {  	s18 =	simm.s32 $0x1;
	s20 =	sand.u32 $0x1, s14  }
0x28: {  	_ =	swait.ge [sflag:s5], $0x4000;
	s18 =	simm.s32 @!p0 $0x0;
	s20 =	smul.u32 $0x10200, s20  }
0x29: {  	p2 =	por $0x1, $0x1;
	[sflag:s5] =	ssyncset.done $0x0;
	s19 =	smul.u32 $0x10200, s18  }
0x2a: {  	s21 =	sshll.u32 s18, $0x10;
	[sflag:s5] =	ssyncadd.s32 $0xFFFFC000;
	s30 =	sshrl.u32 s20, $0x2  }
0x2b: {  	s31 =	sshrl.u32 s21, $0x2;
	s21 =	simm.s32 $0x0;
	s19 =	sshrl.u32 s19, $0x2  }
0x2c: {  	s18 =	sor.u32 $0x8000, s30;
	s20 =	sadd.s32 $0x20, s31;
	s19 =	sor.u32 $0x8000, s19  }
.LBB1_3:
0x2d: {  	s22 =	sshll.u32 s21, $0xD  }
0x2e: {  	s22 =	sand.u32 $0x3FFFE000, s22  }
0x2f: {  	s24 =	sadd.s32 s22, s20  }
0x30: {  	s31 =	smul.u32 $0x8100, s21;
	v3 =	vld [tilespmem:s24+$0x10]  }
0x31: {  	v1 =	vld [tilespmem:s24+$0xFFFFFFF0]  }
0x32: {  	s21 =	sshra.s32 s31, $0x2;
	v0 =	vld [tilespmem:s24+$0x0]  }
0x33: {  	s21 =	sadd.s32 s21, s19;
	v2 =	vld [tilespmem:s24+$0xFFFFFFE0]  }
0x34: {  	s22 =	sadd.s32 $0x0, s21  }
0x35: {  	p1 =	por p2, p2;
	s23 =	simm.s32 $0x4;
	s24 =	sadd.s32 $0x40, s24;
	[tilespmem:s22+$0x1830 ss:$0x81] =	vst.msk $0xffff, v3  }
.LBB1_4:
0x36: {  	v3 =	vld [tilespmem:s24+$0x10];
	p2 =	sne.s32 s23, $0x1FC;
	[tilespmem:s22+$0x810 ss:$0x81] =	vst.msk $0xffff, v1;
	s25 =	smov.u32 s23;
	s23 =	sadd.s32 $0x4, s23  }
.Ltmp3:
0x37: {  	v1 =	vld [tilespmem:s24+$0xFFFFFFF0];
	[tilespmem:s22+$0x1020 ss:$0x81] =	vst.msk $0xffff, v0;
	(pc) =	sbr.rel @p2 .LBB1_4-.Ltmp3, $4  }
0x38: {  	v0 =	vld [tilespmem:s24+$0x0];
	[tilespmem:s22+$0x0 ss:$0x81] =	vst.msk $0xffff, v2  }
0x39: {  	s22 =	sshra.s32 s25, $0x2;
	v2 =	vld [tilespmem:s24+$0xFFFFFFE0]  }
0x3a: {  	s22 =	sadd.s32 s22, s21  }
0x3b: {  	s24 =	sadd.s32 $0x40, s24;
	[tilespmem:s22+$0x1830 ss:$0x81] =	vst.msk $0xffff, v3  }
.Ltmp4:
0x3c: {  	(pc) =	sbr.rel @p1 .LBB1_3-.Ltmp4, $4  }
0x3d: {  	_ = 	snop  }
0x3e: {  	[tilespmem:s22+$0x810 ss:$0x81] =	vst.msk $0xffff, v1  }
0x3f: {  	[tilespmem:s22+$0x1020 ss:$0x81] =	vst.msk $0xffff, v0  }
0x40: {  	s21 =	simm.s32 $0x1;
	p2 =	por $0x0, $0x0;
	[tilespmem:s22+$0x0 ss:$0x81] =	vst.msk $0xffff, v2  }
0x41: {  	s17 =	sshll.u32 s17, $0x15;
	s19 =	sand.u32 $0xF80, s15  }
.Ltmp5:
0x42: {  	s16 =	sshll.u32 s16, $0xC;
	s17 =	sadd.s32 s4, s17;
	(pc) =	sbr.rel .LBB1_7-.Ltmp5, $4  }
0x43: {  	s20 =	sshrl.u32 s15, $0x3;
	s30 =	sand.u32 $0x7, s15;
	s16 =	sadd.s32 s16, s17  }
0x44: {  	s31 =	sand.u32 $0xF, s20;
	s15 =	sshll.u32 s30, $0x12;
	s16 =	sadd.s32 s19, s16  }
0x45: {  	s15 =	sor.u32 $0x400, s15;
	s16 =	sadd.s32 s31, s16  }
0x46: {  	[hbm4b:s16+s15] =	stream.strided.scatter [tilespmem:s18], [sflag:$0x2], $0x4000, s10, s15, $0x20;
	[tilespmem:$0x10100] =	vst v63  }
.LBB1_8:
0x47: {  	_ =	sfence.sel $0x180000  }
0x48: {  	s1 =	simm.s32 $0x1;
	[bflag:$0x0] =	sbarrier.arrive $0xFFFF  }
0x49: {  	s31 =	simm.s32 $0x2;
	[sflag:s1] =	ssyncpa.u1 $0x1  }
0x4a: {  	[sflag:s31] =	ssyncpa.u1 $0x1  }
0x4b: {  	p0 =	sne.s32 s0, $0x0;
	_ =	strace $0x9000004A  }
0x4c: {  	s0 =	sadd.s32 @!p0 $0x100000, s3;
	[bflag:$0x2] =	sbarrier.arrive $0xFFFF  }
0x4d: {  	[sflag:s0] =	ssyncadd.tile.s32 @!p0 $0x1;
	_ =	shalt  }
.Lfunc_end1:
_tile_overlayer_lowered:
.L_overlay_start_2:
0x4e: {  	(tag) =	ssettag $0x2  }
0x4f: {  	s0 =	rddreg [dreg:$0x0];
	s2 =	stileid.u32  }
0x50: {  	s1 =	rddreg [dreg:$0x1];
	p0 =	sne.s32 s2, $0x0  }
0x51: {  	s3 =	rddreg [dreg:$0x2];
	[bflag:$0x3] =	sbarrier.arrive $0xFFFF;
	s2 =	simm.s32 @!p0 $0x1C01  }
0x52: {  	[timem:s3], [sflag:s2] =	dma.local @!p0 [hbm:s0], s1  }
0x53: {  	s0 =	simm.s32 @!p0 $0x1  }
0x54: {  	_ =	swait.ge @!p0 [sflag:s0], s1  }
0x55: {  	s1 =	ssub.s32 @!p0 $0x0, s1;
	[sflag:s0] =	ssyncset.done @!p0 $0x0  }
0x56: {  	[sflag:s0] =	ssyncadd.s32 @!p0 s1  }
0x57: {  	[bflag:$0x3] =	sbarrier.arrive $0xFFFF  }
0x58: {  	_ =	shalt  }

</sc_bundles>
